<compile_context>
chip_gen: v7x
topology: tpu7x:2x2x1
jax: 0.10.2.dev20260603
libtpu: 0.0.44.dev20260713+nightly
codegen_flags: <defaults>
</compile_context>

<pallas_src>
import functools

import jax
import jax.numpy as jnp
from jax import lax
from jax.experimental import pallas as pl
from jax.experimental.pallas import tpu as pltpu
from jax.experimental.pallas import tpu_sc as plsc

N = 10000
E = 160000
A = 400000
F = 128
NB = 2
MAXN = 4
MAXL = 4
D3 = MAXL * MAXN
NUM_ELEM = 108
CUTOFF = 5.0
TB_CUTOFF = 4.0

NC = 2
NS = 16
NW = NC * NS

EP = 163840
AP = 409600
NP = 10240

KB = 4


def _swish(v):
    return v * jax.nn.sigmoid(v)


def _cutoff(r, rc):
    x = r / rc
    return jnp.where(r < rc, 1.0 - 6.0 * x**5 + 15.0 * x**4 - 10.0 * x**3, 0.0)


def _bessel(r, rc, nmax):
    n = jnp.arange(1, nmax + 1, dtype=jnp.float32)
    rs = jnp.clip(r, 1e-6, None)[:, None]
    return jnp.sqrt(2.0 / rc) * jnp.sin(n * jnp.pi * rs / rc) / rs


def _legendre(x):
    return jnp.stack(
        [jnp.ones_like(x), x, 0.5 * (3.0 * x**2 - 1.0), 0.5 * (5.0 * x**3 - 3.0 * x)],
        axis=-1,
    )


def _pad_rows(x, rows, val=0):
    if x.shape[0] == rows:
        return x
    cfg = [(0, rows - x.shape[0])] + [(0, 0)] * (x.ndim - 1)
    return jnp.pad(x, cfg, constant_values=val)


def _pad_cols(x, cols):
    if x.shape[1] == cols:
        return x
    return jnp.pad(x, [(0, 0), (0, cols - x.shape[1])])


_MESH = plsc.VectorSubcoreMesh(
    core_axis_name="c", subcore_axis_name="s", num_cores=NC, num_subcores=NS)
_SC_PARAMS = pltpu.CompilerParams(use_tc_tiling_on_sc=False)


@functools.partial(jax.jit, static_argnames=("chunk",))
def _sc_gather(table, idx, chunk=128):
    B = idx.shape[0]
    V, D = table.shape
    per_w = B // NW
    nchunks = per_w // chunk
    assert B % NW == 0 and per_w % chunk == 0 and nchunks % KB == 0 and nchunks >= KB

    @functools.partial(
        pl.kernel,
        out_type=jax.ShapeDtypeStruct((B, D), table.dtype),
        mesh=_MESH,
        compiler_params=_SC_PARAMS,
        scratch_types=[
            pltpu.VMEM((per_w,), jnp.int32),
            pltpu.VMEM((KB, chunk, D), table.dtype),
            pltpu.SemaphoreType.DMA((KB,)),
            pltpu.SemaphoreType.DMA((KB,)),
        ],
    )
    def k(table_hbm, idx_hbm, out_hbm, idx_v, bufs, gsem, ssem):
        wid = lax.axis_index("s") * NC + lax.axis_index("c")
        base = wid * per_w
        pltpu.sync_copy(idx_hbm.at[pl.ds(base, per_w)], idx_v)

        def issue(i, s):
            pltpu.async_copy(
                table_hbm.at[idx_v.at[pl.ds(i * chunk, chunk)]],
                bufs.at[s], gsem.at[s])

        for s in range(2):
            issue(s, s)

        @pl.loop(0, nchunks, step=KB)
        def _(i0):
            for j in range(KB):
                i = i0 + j
                jl = (j + 2) % KB

                @pl.when(i + 2 < nchunks)
                def _():
                    @pl.when(i + 2 >= KB)
                    def _():
                        pltpu.make_async_copy(
                            bufs.at[jl], out_hbm.at[pl.ds(base, chunk)],
                            ssem.at[jl]).wait()
                    issue(i + 2, jl)

                pltpu.make_async_copy(
                    out_hbm.at[pl.ds(base, chunk)], bufs.at[j], gsem.at[j]).wait()
                pltpu.async_copy(
                    bufs.at[j], out_hbm.at[pl.ds(base + i * chunk, chunk)],
                    ssem.at[j])

        for j in range(KB):
            pltpu.make_async_copy(
                bufs.at[j], out_hbm.at[pl.ds(base, chunk)], ssem.at[j]).wait()

    return k(table, idx)


@jax.jit
def _sc_angle_agg(gate, nidx, w, ij, init):
    chunk = 128
    KA = 5
    Vh = EP // NC
    per_t = AP // NS
    nchunks = per_t // chunk
    rows_t = Vh // NS
    assert nchunks % KA == 0 and nchunks >= KA

    @functools.partial(
        pl.kernel,
        out_type=jax.ShapeDtypeStruct((EP, D3), jnp.float32),
        mesh=_MESH,
        compiler_params=_SC_PARAMS,
        scratch_types=[
            pltpu.VMEM_SHARED((Vh + 8, D3), jnp.float32),
            pltpu.VMEM((KA, chunk), jnp.int32),
            pltpu.VMEM((KA, chunk), jnp.int32),
            pltpu.VMEM((KA, chunk, D3), jnp.float32),
            pltpu.VMEM((KA, chunk, D3), jnp.float32),
            pltpu.VMEM((KA, chunk), jnp.int32),
            pltpu.SemaphoreType.DMA((KA,)),
            pltpu.SemaphoreType.DMA((KA,)),
            pltpu.SemaphoreType.DMA((KA,)),
            pltpu.SemaphoreType.DMA((KA,)),
            pltpu.SemaphoreType.DMA((KA,)),
        ],
    )
    def k(gate_hbm, nidx_hbm, w_hbm, ij_hbm, init_hbm, out_hbm,
          acc_sh, nbuf, ibuf, gbuf, wbuf, adj, nsem, isem, gsem, wsem, ssem):
        cid = lax.axis_index("c")
        sid = lax.axis_index("s")
        lo = cid * Vh
        pltpu.sync_copy(init_hbm.at[pl.ds(lo + sid * rows_t, rows_t)],
                        acc_sh.at[pl.ds(sid * rows_t, rows_t)])

        @pl.when(sid == 0)
        def _():
            pltpu.sync_copy(init_hbm.at[pl.ds(0, 8)], acc_sh.at[pl.ds(Vh, 8)])

        base = sid * per_t
        plsc.subcore_barrier()

        def issue_idx(i, s):
            pltpu.async_copy(nidx_hbm.at[pl.ds(base + i * chunk, chunk)],
                             nbuf.at[s], nsem.at[s])
            pltpu.async_copy(ij_hbm.at[pl.ds(base + i * chunk, chunk)],
                             ibuf.at[s], isem.at[s])

        def issue_gather(i, s):
            pltpu.make_async_copy(
                nidx_hbm.at[pl.ds(base, chunk)], nbuf.at[s], nsem.at[s]).wait()
            pltpu.async_copy(gate_hbm.at[nbuf.at[s]], gbuf.at[s], gsem.at[s])
            pltpu.async_copy(w_hbm.at[pl.ds(base + i * chunk, chunk)],
                             wbuf.at[s], wsem.at[s])

        for c in range(4):
            issue_idx(c, c)
        for c in range(2):
            issue_gather(c, c)

        @pl.loop(0, nchunks, step=KA)
        def _(i0):
            for j in range(KA):
                i = i0 + j
                sg = (j + 2) % KA
                sa = (j + 4) % KA

                @pl.when(i + 4 < nchunks)
                def _():
                    issue_idx(i + 4, sa)

                @pl.when(i + 2 < nchunks)
                def _():
                    @pl.when(i + 2 >= KA)
                    def _():
                        pltpu.make_async_copy(
                            out_hbm.at[pl.ds(0, chunk)], gbuf.at[sg],
                            ssem.at[sg]).wait()
                    issue_gather(i + 2, sg)

                pltpu.make_async_copy(
                    out_hbm.at[pl.ds(0, chunk)], gbuf.at[j], gsem.at[j]).wait()
                pltpu.make_async_copy(
                    out_hbm.at[pl.ds(0, chunk)], wbuf.at[j], wsem.at[j]).wait()
                pltpu.make_async_copy(
                    ij_hbm.at[pl.ds(base, chunk)], ibuf.at[j], isem.at[j]).wait()
                for r in range(chunk):
                    gbuf[j, r, :] = gbuf[j, r, :] * wbuf[j, r, :]
                for t in range(chunk // 16):
                    v = ibuf[j, pl.ds(t * 16, 16)]
                    inr = (v >= lo) & (v < lo + Vh)
                    adj[j, pl.ds(t * 16, 16)] = jnp.where(inr, v - lo, Vh)
                pltpu.async_copy(gbuf.at[j], acc_sh.at[adj.at[j]], ssem.at[j],
                                 add=True)

        for j in range(KA):
            pltpu.make_async_copy(
                out_hbm.at[pl.ds(0, chunk)], gbuf.at[j], ssem.at[j]).wait()
        plsc.subcore_barrier()
        pltpu.sync_copy(acc_sh.at[pl.ds(sid * rows_t, rows_t)],
                        out_hbm.at[pl.ds(lo + sid * rows_t, rows_t)])

    return k(gate, nidx, w, ij, init)


@jax.jit
def _sc_scatter_add(data, idx, init):
    chunk = 128
    B, D = data.shape
    V = init.shape[0]
    Vh = V // NC
    per_t = B // NS
    nchunks = per_t // chunk
    rows_t = Vh // NS
    assert per_t % chunk == 0 and nchunks % KB == 0 and V % (NC * NS) == 0

    @functools.partial(
        pl.kernel,
        out_type=jax.ShapeDtypeStruct((V, D), jnp.float32),
        mesh=_MESH,
        compiler_params=_SC_PARAMS,
        scratch_types=[
            pltpu.VMEM_SHARED((Vh + 8, D), jnp.float32),
            pltpu.VMEM((per_t,), jnp.int32),
            pltpu.VMEM((KB, chunk, D), jnp.float32),
            pltpu.VMEM((KB, chunk), jnp.int32),
            pltpu.SemaphoreType.DMA((KB,)),
            pltpu.SemaphoreType.DMA((KB,)),
        ],
    )
    def k(data_hbm, idx_hbm, init_hbm, out_hbm,
          acc_sh, idx_v, dbuf, adj, dsem, ssem):
        cid = lax.axis_index("c")
        sid = lax.axis_index("s")
        lo = cid * Vh
        pltpu.sync_copy(init_hbm.at[pl.ds(lo + sid * rows_t, rows_t)],
                        acc_sh.at[pl.ds(sid * rows_t, rows_t)])

        @pl.when(sid == 0)
        def _():
            pltpu.sync_copy(init_hbm.at[pl.ds(0, 8)], acc_sh.at[pl.ds(Vh, 8)])

        base = sid * per_t
        pltpu.sync_copy(idx_hbm.at[pl.ds(base, per_t)], idx_v)
        plsc.subcore_barrier()

        def issue(i, s):
            pltpu.async_copy(
                data_hbm.at[pl.ds(base + i * chunk, chunk)], dbuf.at[s],
                dsem.at[s])

        for s in range(2):
            issue(s, s)

        @pl.loop(0, nchunks, step=KB)
        def _(i0):
            for j in range(KB):
                i = i0 + j
                jl = (j + 2) % KB

                @pl.when(i + 2 < nchunks)
                def _():
                    @pl.when(i + 2 >= KB)
                    def _():
                        pltpu.make_async_copy(
                            out_hbm.at[pl.ds(0, chunk)], dbuf.at[jl],
                            ssem.at[jl]).wait()
                    issue(i + 2, jl)

                pltpu.make_async_copy(
                    out_hbm.at[pl.ds(0, chunk)], dbuf.at[j], dsem.at[j]).wait()
                for t in range(chunk // 16):
                    v = idx_v[pl.ds(i * chunk + t * 16, 16)]
                    inr = (v >= lo) & (v < lo + Vh)
                    adj[j, pl.ds(t * 16, 16)] = jnp.where(inr, v - lo, Vh)
                pltpu.async_copy(dbuf.at[j], acc_sh.at[adj.at[j]], ssem.at[j],
                                 add=True)

        for j in range(KB):
            pltpu.make_async_copy(
                out_hbm.at[pl.ds(0, chunk)], dbuf.at[j], ssem.at[j]).wait()
        plsc.subcore_barrier()
        pltpu.sync_copy(acc_sh.at[pl.ds(sid * rows_t, rows_t)],
                        out_hbm.at[pl.ds(lo + sid * rows_t, rows_t)])

    return k(data, idx, init)



_BE = 512


def _lane16(shape):
    return lax.broadcasted_iota(jnp.int32, shape, 1) % 16


def _cut_tc(d, rc):
    x = d / rc
    return jnp.where(d < rc, 1.0 - 6.0 * x**5 + 15.0 * x**4 - 10.0 * x**3, 0.0)


def _geom_body(p_ref, q_ref, o_ref, db_ref, mc_ref, ms_ref, g_ref):
    V = q_ref[...] - p_ref[...] + jnp.dot(
        o_ref[...], mc_ref[...], preferred_element_type=jnp.float32)
    d2 = jnp.dot(V * V, ms_ref[...], preferred_element_type=jnp.float32)
    d = jnp.sqrt(d2)
    lane = _lane16(V.shape)
    nl = (lane - 3).astype(jnp.float32)
    b = (jnp.sqrt(2.0 / CUTOFF) * jnp.sin(nl * (jnp.pi / CUTOFF) * d)
         / jnp.maximum(d, 1e-6)) * _cut_tc(d, CUTOFF)
    out = jnp.where(lane < 3, V, 0.0)
    out = jnp.where(lane == 3, d, out)
    out = jnp.where((lane >= 4) & (lane < 8), b, out)
    out = jnp.where(lane == 8, _cut_tc(d, TB_CUTOFF), out)
    out = jnp.where(lane == 9, db_ref[...], out)
    g_ref[...] = out


@jax.jit
def _tc_geom(pv, qv, ov, dbv, mcell, msum3):
    R = pv.shape[0]
    grid = R // _BE
    bs = lambda: pl.BlockSpec((_BE, 128), lambda i: (i, 0))
    ws = pl.BlockSpec((128, 128), lambda i: (0, 0))
    return pl.pallas_call(
        _geom_body,
        out_shape=jax.ShapeDtypeStruct((R, 128), jnp.float32),
        grid=(grid,),
        in_specs=[bs(), bs(), bs(), bs(), ws, ws],
        out_specs=bs(),
    )(pv, qv, ov, dbv, mcell, msum3)


def _ang_body(gi_ref, gk_ref, ms_ref, mr_ref, w_ref):
    gi = gi_ref[...]
    gk = gk_ref[...]
    dot = jnp.dot(gi * gk, ms_ref[...], preferred_element_type=jnp.float32)
    q2 = jnp.dot(gi * gi, ms_ref[...], preferred_element_type=jnp.float32)
    r2 = jnp.dot(gk * gk, ms_ref[...], preferred_element_type=jnp.float32)
    dij = jnp.dot(gi, mr_ref[...], preferred_element_type=jnp.float32)
    nik = jnp.dot(gk, mr_ref[...], preferred_element_type=jnp.float32)
    eps = float(jnp.finfo(jnp.float32).eps)
    cos = jnp.clip(dot * lax.rsqrt(q2 * r2), -1.0 + eps, 1.0 - eps)
    lane = _lane16(gi.shape)
    nb = (lane % 4 + 1).astype(jnp.float32)
    radl = (jnp.sqrt(2.0 / TB_CUTOFF) * jnp.sin(nb * (jnp.pi / TB_CUTOFF) * nik)
            / jnp.maximum(nik, 1e-6)) * _cut_tc(nik, TB_CUTOFF)
    l_idx = lane // 4
    angl = jnp.where(l_idx == 0, 1.0, cos)
    angl = jnp.where(l_idx == 2, 0.5 * (3.0 * cos * cos - 1.0), angl)
    angl = jnp.where(l_idx == 3, 0.5 * (5.0 * cos**3 - 3.0 * cos), angl)
    fc3 = _cut_tc(dij, TB_CUTOFF) * _cut_tc(nik, TB_CUTOFF)
    w_ref[...] = radl * angl * fc3


@jax.jit
def _tc_ang(giv, gkv, msum3, mrep3):
    R = giv.shape[0]
    grid = R // _BE
    bs = lambda: pl.BlockSpec((_BE, 128), lambda i: (i, 0))
    ws = pl.BlockSpec((128, 128), lambda i: (0, 0))
    return pl.pallas_call(
        _ang_body,
        out_shape=jax.ShapeDtypeStruct((R, 128), jnp.float32),
        grid=(grid,),
        in_specs=[bs(), bs(), ws, ws],
        out_specs=bs(),
    )(giv, gkv, msum3, mrep3)


def _gate_body(af_ref, wg_ref, bg_ref, o_ref):
    o_ref[...] = jax.nn.sigmoid(
        jnp.dot(af_ref[...], wg_ref[...], preferred_element_type=jnp.float32)
        + bg_ref[...])


@jax.jit
def _tc_gate(af, Wg, bg):
    grid = NP // _BE
    return pl.pallas_call(
        _gate_body,
        out_shape=jax.ShapeDtypeStruct((NP, D3), jnp.float32),
        grid=(grid,),
        in_specs=[pl.BlockSpec((_BE, 128), lambda i: (i, 0)),
                  pl.BlockSpec((128, D3), lambda i: (0, 0)),
                  pl.BlockSpec((1, D3), lambda i: (0, 0))],
        out_specs=pl.BlockSpec((_BE, D3), lambda i: (i, 0)),
    )(af, Wg, bg.reshape(1, D3))


def _ef0_body(g_ref, w_ref, b_ref, o_ref):
    o_ref[...] = _swish(
        jnp.dot(g_ref[...], w_ref[...], preferred_element_type=jnp.float32)
        + b_ref[...]).astype(jnp.bfloat16)


@jax.jit
def _tc_ef0(G, encWp, encb):
    grid = EP // _BE
    return pl.pallas_call(
        _ef0_body,
        out_shape=jax.ShapeDtypeStruct((EP, F), jnp.bfloat16),
        grid=(grid,),
        in_specs=[pl.BlockSpec((_BE, 16), lambda i: (i, 0)),
                  pl.BlockSpec((16, F), lambda i: (0, 0)),
                  pl.BlockSpec((1, F), lambda i: (0, 0))],
        out_specs=pl.BlockSpec((_BE, F), lambda i: (i, 0)),
    )(G, encWp, encb.reshape(1, F))


def _edge_body(vi_ref, vj_ref, ef_ref, g_ref, agg_ref, w2_ref, w3_ref,
               we1_ref, we2_ref, we3_ref, be_ref, we0_ref,
               wa1_ref, wa2_ref, wa3_ref, ba_ref, wa0_ref,
               ef2_ref, msg_ref):
    dotf = lambda a, b: jnp.dot(a, b[...], preferred_element_type=jnp.float32)
    bf = jnp.bfloat16
    agg = agg_ref[...]
    efu = ef_ref[...].astype(jnp.float32) + _swish(dotf(agg, w2_ref)) * (
        jax.nn.sigmoid(dotf(agg, w3_ref)))
    vi = vi_ref[...]
    vj = vj_ref[...]
    g = g_ref[...]
    ze = (dotf(vi, we1_ref) + dotf(vj, we2_ref)
          + dotf(efu.astype(bf), we3_ref) + be_ref[...])
    ef2 = efu + _swish(ze) * dotf(g, we0_ref)
    za = (dotf(vi, wa1_ref) + dotf(vj, wa2_ref)
          + dotf(ef2.astype(bf), wa3_ref) + ba_ref[...])
    ef2_ref[...] = ef2.astype(bf)
    msg_ref[...] = _swish(za) * dotf(g, wa0_ref)


@jax.jit
def _tc_edge(vi, vj, ef, G, agg, W2, W3, We1, We2, We3, be, We0p,
             Wa1, Wa2, Wa3, ba, Wa0p):
    grid = vi.shape[0] // _BE
    R = vi.shape[0]
    bF = pl.BlockSpec((_BE, F), lambda i: (i, 0))
    b16 = pl.BlockSpec((_BE, 16), lambda i: (i, 0))
    w16 = pl.BlockSpec((16, F), lambda i: (0, 0))
    wF = pl.BlockSpec((F, F), lambda i: (0, 0))
    w1 = pl.BlockSpec((1, F), lambda i: (0, 0))
    return pl.pallas_call(
        _edge_body,
        out_shape=[jax.ShapeDtypeStruct((R, F), jnp.bfloat16),
                   jax.ShapeDtypeStruct((R, F), jnp.float32)],
        grid=(grid,),
        in_specs=[bF, bF, bF, b16, b16, w16, w16,
                  wF, wF, wF, w1, w16, wF, wF, wF, w1, w16],
        out_specs=[bF, bF],
    )(vi, vj, ef, G, agg, W2, W3, We1, We2, We3, be.reshape(1, F), We0p,
      Wa1, Wa2, Wa3, ba.reshape(1, F), Wa0p)


def _readout_body(af_ref, ss_ref, w1_ref, b1_ref, w2_ref, b2_ref, w3_ref,
                  b3_ref, o_ref):
    dotf = lambda a, b: jnp.dot(a, b[...], preferred_element_type=jnp.float32)
    h = _swish(dotf(af_ref[...], w1_ref) + b1_ref[...])
    h = _swish(dotf(h, w2_ref) + b2_ref[...])
    z = dotf(h, w3_ref)
    e = (z[:, 0:1] + b3_ref[...]) * ss_ref[:, 0:1] + ss_ref[:, 1:2]

    @pl.when(pl.program_id(0) == 0)
    def _():
        o_ref[...] = jnp.zeros_like(o_ref)

    o_ref[...] += jnp.sum(e, keepdims=True)


@jax.jit
def _tc_readout(af, ss, W1, b1, W2, b2, W3p, b3):
    grid = NP // _BE
    wF = pl.BlockSpec((F, F), lambda i: (0, 0))
    w1 = pl.BlockSpec((1, F), lambda i: (0, 0))
    out = pl.pallas_call(
        _readout_body,
        out_shape=jax.ShapeDtypeStruct((1, 1), jnp.float32),
        grid=(grid,),
        in_specs=[pl.BlockSpec((_BE, F), lambda i: (i, 0)),
                  pl.BlockSpec((_BE, 16), lambda i: (i, 0)),
                  wF, w1, wF, w1, wF,
                  pl.BlockSpec((1, 1), lambda i: (0, 0))],
        out_specs=pl.BlockSpec((1, 1), lambda i: (0, 0)),
    )(af, ss, W1, b1.reshape(1, F), W2, b2.reshape(1, F), W3p,
      b3.reshape(1, 1))
    return out[:, 0]


def kernel(atomic_numbers, pos, edge_index, edge_offsets, cell, three_body_indices,
           total_num_edges, total_num_angles, total_num_atoms, embedding, enc_W,
           enc_b, blk_Wg, blk_bg, blk_W2, blk_W3, blk_We, blk_be, blk_We0, blk_Wa,
           blk_ba, blk_Wa0, en_W1, en_b1, en_W2, en_b2, en_W3, en_b3, scale, shift):
    src, dst = edge_index[0], edge_index[1]
    ij = three_body_indices[:, 0]
    ik = three_body_indices[:, 1]

    src_g = _pad_rows(src, EP)
    dst_g = _pad_rows(dst, EP)
    ij_g = _pad_rows(ij, AP)
    ik_g = _pad_rows(ik, AP)
    ij_s = _pad_rows(ij, AP, val=E)
    dst_s = _pad_rows(dst, EP, val=N)

    pos16 = _pad_cols(pos, 16)
    eye8 = jnp.eye(8, dtype=jnp.float32)
    mcell = jnp.kron(eye8, jnp.pad(cell[0], [(0, 13), (0, 13)]))
    msum3 = jnp.kron(eye8, jnp.pad(jnp.ones((3, 16), jnp.float32),
                                   [(0, 13), (0, 0)]))
    mrep3 = jnp.kron(eye8, jnp.pad(jnp.ones((1, 16), jnp.float32),
                                   [(3, 12), (0, 0)]))

    p = _sc_gather(pos16, src_g)
    q = _sc_gather(pos16, dst_g)
    ov = _pad_cols(_pad_rows(edge_offsets, EP), 16).reshape(EP // 8, 128)
    dbv = jnp.pad(lax.bitcast_convert_type(dst_g, jnp.float32)[:, None],
                  [(0, 0), (9, 6)]).reshape(EP // 8, 128)
    Gv = _tc_geom(p.reshape(EP // 8, 128), q.reshape(EP // 8, 128), ov, dbv,
                  mcell, msum3)
    G = Gv.reshape(EP, 16)

    Gij = _sc_gather(G, ij_g)
    Gik = _sc_gather(G, ik_g)
    nidx = lax.bitcast_convert_type(Gik[:, 9], jnp.int32)
    W3A = _tc_ang(Gij.reshape(AP // 8, 128), Gik.reshape(AP // 8, 128),
                  msum3, mrep3).reshape(AP, 16)

    atom_feat = _sc_gather(embedding, _pad_rows(atomic_numbers, NP), chunk=80)
    ef = _tc_ef0(G, jnp.pad(enc_W, [(4, 8), (0, 0)]), enc_b)

    zero16 = jnp.zeros((EP, D3), jnp.float32)
    bf = jnp.bfloat16
    for b in range(NB):
        gate_k = _tc_gate(atom_feat, blk_Wg[b], blk_bg[b])
        agg = _sc_angle_agg(gate_k, nidx, W3A, ij_s, zero16)
        af16 = atom_feat.astype(bf)
        vi = _sc_gather(af16, src_g, chunk=160)
        vj = _sc_gather(af16, dst_g, chunk=160)
        We = blk_We[b]
        Wa = blk_Wa[b]
        ef, msg = _tc_edge(
            vi, vj, ef, G, agg, blk_W2[b], blk_W3[b],
            We[:F].astype(bf), We[F:2 * F].astype(bf), We[2 * F:].astype(bf),
            blk_be[b], jnp.pad(blk_We0[b], [(4, 8), (0, 0)]),
            Wa[:F].astype(bf), Wa[F:2 * F].astype(bf), Wa[2 * F:].astype(bf),
            blk_ba[b], jnp.pad(blk_Wa0[b], [(4, 8), (0, 0)]))
        atom_feat = _sc_scatter_add(msg, dst_s, atom_feat)

    ss_tab = _pad_rows(_pad_cols(jnp.stack([scale, shift], axis=1), 16), 112)
    ss = _sc_gather(ss_tab, _pad_rows(atomic_numbers, NP, val=108), chunk=80)
    return _tc_readout(atom_feat, ss, en_W1, en_b1, en_W2, en_b2,
                       jnp.pad(en_W3, [(0, 0), (0, 127)]), en_b3)

# --- scband reference (transcript-rebuilt; emitter-appended) ---
"""Pipeline reference for scband-m3-gnet-48258252538051 (READ-ONLY COPY).

The authoritative reference and input builder live on the scoring server;
editing this copy changes nothing except your own understanding.
"""

import jax, jax.numpy as jnp
import numpy as np

N = 10000
E = 160000
A = 400000
F = 128
NB = 2
MAXN = 4
MAXL = 4
D3 = MAXL * MAXN
NUM_ELEM = 108
CUTOFF = 5.0
TB_CUTOFF = 4.0


def swish(v):
    return v * jax.nn.sigmoid(v)


def _cutoff(r, rc):
    x = r / rc
    return jnp.where(r < rc, 1.0 - 6.0 * x**5 + 15.0 * x**4 - 10.0 * x**3, 0.0)


def _bessel(r, rc, nmax):
    n = jnp.arange(1, nmax + 1, dtype=jnp.float32)
    rs = jnp.clip(r, 1e-6, None)[:, None]
    return jnp.sqrt(2.0 / rc) * jnp.sin(n * jnp.pi * rs / rc) / rs


def _legendre(x):
    return jnp.stack([jnp.ones_like(x), x, 0.5 * (3.0 * x**2 - 1.0), 0.5 * (5.0 * x**3 - 3.0 * x)], axis=-1)


def setup_inputs(seed: int = 0):
    key = jax.random.key(seed)
    ks = jax.random.split(key, 40)
    s = 0.05
    inp = {}
    inp['atomic_numbers'] = jax.random.randint(ks[0], (N,), 0, NUM_ELEM, dtype=jnp.int32)
    inp['pos'] = 3.0 * jax.random.normal(ks[1], (N, 3), dtype=jnp.float32)
    inp['edge_index'] = jax.random.randint(ks[2], (2, E), 0, N, dtype=jnp.int32)
    inp['edge_offsets'] = jax.random.normal(ks[3], (E, 3), dtype=jnp.float32)
    inp['cell'] = 10.0 * jnp.eye(3, dtype=jnp.float32)[None] + 0.1 * jax.random.normal(ks[4], (1, 3, 3), dtype=jnp.float32)
    inp['three_body_indices'] = jax.random.randint(ks[5], (A, 2), 0, E, dtype=jnp.int32)
    inp['total_num_edges'] = jnp.array([E], dtype=jnp.int32)
    inp['total_num_angles'] = jnp.array([A], dtype=jnp.int32)
    inp['total_num_atoms'] = jnp.array([N], dtype=jnp.int32)
    inp['embedding'] = s * jax.random.normal(ks[6], (NUM_ELEM, F), dtype=jnp.float32)
    inp['enc_W'] = s * jax.random.normal(ks[7], (MAXN, F), dtype=jnp.float32)
    inp['enc_b'] = jnp.zeros((F,), dtype=jnp.float32)
    inp['blk_Wg'] = s * jax.random.normal(ks[8], (NB, F, D3), dtype=jnp.float32)
    inp['blk_bg'] = jnp.zeros((NB, D3), dtype=jnp.float32)
    inp['blk_W2'] = s * jax.random.normal(ks[9], (NB, D3, F), dtype=jnp.float32)
    inp['blk_W3'] = s * jax.random.normal(ks[10], (NB, D3, F), dtype=jnp.float32)
    inp['blk_We'] = s * jax.random.normal(ks[11], (NB, 3 * F, F), dtype=jnp.float32)
    inp['blk_be'] = jnp.zeros((NB, F), dtype=jnp.float32)
    inp['blk_We0'] = s * jax.random.normal(ks[12], (NB, MAXN, F), dtype=jnp.float32)
    inp['blk_Wa'] = s * jax.random.normal(ks[13], (NB, 3 * F, F), dtype=jnp.float32)
    inp['blk_ba'] = jnp.zeros((NB, F), dtype=jnp.float32)
    inp['blk_Wa0'] = s * jax.random.normal(ks[14], (NB, MAXN, F), dtype=jnp.float32)
    inp['en_W1'] = s * jax.random.normal(ks[15], (F, F), dtype=jnp.float32)
    inp['en_b1'] = jnp.zeros((F,), dtype=jnp.float32)
    inp['en_W2'] = s * jax.random.normal(ks[16], (F, F), dtype=jnp.float32)
    inp['en_b2'] = jnp.zeros((F,), dtype=jnp.float32)
    inp['en_W3'] = s * jax.random.normal(ks[17], (F, 1), dtype=jnp.float32)
    inp['en_b3'] = jnp.zeros((1,), dtype=jnp.float32)
    inp['scale'] = jnp.ones((NUM_ELEM,), dtype=jnp.float32)
    inp['shift'] = jnp.zeros((NUM_ELEM,), dtype=jnp.float32)
    return inp


def _forward(atomic_numbers, edge_index, three_body_indices, pos, edge_offsets, cell, embedding, enc_W, enc_b, blk_Wg, blk_bg, blk_W2, blk_W3, blk_We, blk_be, blk_We0, blk_Wa, blk_ba, blk_Wa0, en_W1, en_b1, en_W2, en_b2, en_W3, en_b3, scale, shift):
    # single graph (G=1): cumsum edge offsets for three_body_indices are all zero
    tbi = three_body_indices
    batch_map_e = jnp.zeros((E,), dtype=jnp.int32)
    cell_per_edge = cell.reshape(-1, 3, 3)[batch_map_e]
    eoff = jnp.einsum('ei,eij->ej', edge_offsets, cell_per_edge)
    src, dst = edge_index[0], edge_index[1]
    edge_vec = pos[dst] - pos[src] + eoff
    edge_dist = jnp.linalg.norm(edge_vec, axis=1)
    ij = tbi[:, 0]
    ik = tbi[:, 1]
    vij = edge_vec[ij]
    vik = edge_vec[ik]
    nik = edge_dist[ik]
    cosang = jnp.sum(vij * vik, axis=1) / (jnp.linalg.norm(vij, axis=1) * jnp.linalg.norm(vik, axis=1))
    eps = float(jnp.finfo(jnp.float32).eps)
    cosang = jnp.clip(cosang, -1.0 + eps, 1.0 - eps)
    theta = jnp.arccos(cosang)
    atom_feat = embedding[atomic_numbers]
    ef0 = _bessel(edge_dist, CUTOFF, MAXN) * _cutoff(edge_dist, CUTOFF)[:, None]
    ef = swish(ef0 @ enc_W + enc_b)
    rad = _bessel(nik, TB_CUTOFF, MAXN) * _cutoff(nik, TB_CUTOFF)[:, None]
    ang = _legendre(jnp.cos(theta))
    angle_feat = (rad[:, None, :] * ang[:, :, None]).reshape(A, D3)
    fc3 = _cutoff(edge_dist[ij], TB_CUTOFF) * _cutoff(nik, TB_CUTOFF)
    for b in range(NB):
        gate_k = jax.nn.sigmoid(atom_feat @ blk_Wg[b] + blk_bg[b])
        m = angle_feat * gate_k[dst[ik]] * fc3[:, None]
        agg = jax.ops.segment_sum(m, ij, num_segments=E)
        ef = ef + swish(agg @ blk_W2[b]) * jax.nn.sigmoid(agg @ blk_W3[b])
        vi = atom_feat[src]
        vj = atom_feat[dst]
        We = blk_We[b]
        ze = vi @ We[:F] + vj @ We[F:2 * F] + ef @ We[2 * F:] + blk_be[b]
        ef = ef + swish(ze) * (ef0 @ blk_We0[b])
        Wa = blk_Wa[b]
        za = vi @ Wa[:F] + vj @ Wa[F:2 * F] + ef @ Wa[2 * F:] + blk_ba[b]
        msg = swish(za) * (ef0 @ blk_Wa0[b])
        atom_feat = atom_feat + jax.ops.segment_sum(msg, dst, num_segments=N)
    h = swish(atom_feat @ en_W1 + en_b1)
    h = swish(h @ en_W2 + en_b2)
    e_atom = (h @ en_W3 + en_b3)[:, 0]
    e_atom = e_atom * scale[atomic_numbers] + shift[atomic_numbers]
    batch_map_a = jnp.zeros((N,), dtype=jnp.int32)
    return jax.ops.segment_sum(e_atom, batch_map_a, num_segments=1)


def reference(atomic_numbers, pos, edge_index, edge_offsets, cell, three_body_indices, total_num_edges, total_num_angles, total_num_atoms, embedding, enc_W, enc_b, blk_Wg, blk_bg, blk_W2, blk_W3, blk_We, blk_be, blk_We0, blk_Wa, blk_ba, blk_Wa0, en_W1, en_b1, en_W2, en_b2, en_W3, en_b3, scale, shift):
    return _forward(atomic_numbers, edge_index, three_body_indices, pos, edge_offsets, cell, embedding, enc_W, enc_b, blk_Wg, blk_bg, blk_W2, blk_W3, blk_We, blk_be, blk_We0, blk_Wa, blk_ba, blk_Wa0, en_W1, en_b1, en_W2, en_b2, en_W3, en_b3, scale, shift)

if __name__ == "__main__":
    import jax
    _d = setup_inputs()
    print(jax.jit(kernel)(*tuple(_d.values())))

</pallas_src>

<mosaic_0001>
#map = affine_map<(d0, d1) -> (0, 0)>
#map1 = affine_map<(d0, d1) -> (0)>
module attributes {stable_mosaic.version = 14 : i64} {
  func.func @k(%arg0: i32, %arg1: i32, %arg2: memref<10000x16xf32, #tpu.memory_space<hbm>>, %arg3: memref<163840xi32, #tpu.memory_space<hbm>>, %arg4: memref<163840x16xf32, #tpu.memory_space<hbm>>, %arg5: memref<5120xi32, #tpu.memory_space<vmem>>, %arg6: memref<4x128x16xf32, #tpu.memory_space<vmem>>, %arg7: memref<4x!tpu.dma_semaphore, #tpu.memory_space<semaphore_mem>>, %arg8: memref<4x!tpu.dma_semaphore, #tpu.memory_space<semaphore_mem>>) attributes {dimension_semantics = [#tpu.dimension_semantics<core_parallel>, #tpu.dimension_semantics<subcore_parallel>], iteration_bounds = array<i64: 2, 16>, scalar_prefetch = 0 : i64, scratch_operands = 4 : i64, tpu.core_type = #tpu.core_type<sc_vector_subcore>, window_params = [{transform_indices = #map}, {transform_indices = #map1}, {transform_indices = #map}]} {
    %mul3A = arith.constant 2 : i32
    %mul3A_0 = arith.muli %arg1, %mul3A : i32
    %add3A = arith.addi %mul3A_0, %arg0 : i32
    %mul3A_1 = arith.constant 5120 : i32
    %mul3A_2 = arith.muli %add3A, %mul3A_1 : i32
    "tpu.region"() ({
      %run_scoped3A = tpu.sem_alloc : memref<!tpu.dma_semaphore, #tpu.memory_space<semaphore_mem>>
      %dma_start3A_95 = tpu.memref_slice %arg3[%mul3A_2] : memref<163840xi32, #tpu.memory_space<hbm>> -> memref<5120xi32, #tpu.memory_space<hbm>>
      %dma_start3A_96 = tpu.memref_slice %arg3[%mul3A_2] : memref<163840xi32, #tpu.memory_space<hbm>> -> memref<5120xi32, #tpu.memory_space<hbm>>
      tpu.enqueue_dma source(%dma_start3A_96 : memref<5120xi32, #tpu.memory_space<hbm>>) target(%arg5 : memref<5120xi32, #tpu.memory_space<vmem>>) target_semaphore(%run_scoped3A : memref<!tpu.dma_semaphore, #tpu.memory_space<semaphore_mem>>)
      %dma_wait3A_97 = tpu.memref_slice %arg3[%mul3A_2] : memref<163840xi32, #tpu.memory_space<hbm>> -> memref<5120xi32, #tpu.memory_space<hbm>>
      %dma_wait3A_98 = tpu.memref_slice %arg3[%mul3A_2] : memref<163840xi32, #tpu.memory_space<hbm>> -> memref<5120xi32, #tpu.memory_space<hbm>>
      tpu.wait_dma2 semaphore(%run_scoped3A : memref<!tpu.dma_semaphore, #tpu.memory_space<semaphore_mem>>) src(%dma_wait3A_98 : memref<5120xi32, #tpu.memory_space<hbm>>) dst(%arg5 : memref<5120xi32, #tpu.memory_space<vmem>>)
      tpu.yield
    }) : () -> ()
    %dma_start3A = arith.constant 0 : i32
    %dma_start3A_3 = arith.constant 0 : i32
    %dma_start3A_4 = arith.constant 0 : i32
    %dma_start3A_5 = arith.constant 0 : i32
    %dma_start3A_6 = tpu.memref_slice %arg6[%dma_start3A, %dma_start3A_4, %dma_start3A_5] : memref<4x128x16xf32, #tpu.memory_space<vmem>> -> memref<1x128x16xf32, #tpu.memory_space<vmem>>
    %dma_start3A_7 = tpu.memref_squeeze %dma_start3A_6 : memref<1x128x16xf32, #tpu.memory_space<vmem>> -> memref<128x16xf32, #tpu.memory_space<vmem>>
    %dma_start3A_8 = arith.constant 0 : i32
    %dma_start3A_9 = tpu.memref_slice %arg5[%dma_start3A_8] : memref<5120xi32, #tpu.memory_space<vmem>> -> memref<128xi32, #tpu.memory_space<vmem>>
    %dma_start3A_10 = arith.constant 0 : i32
    %dma_start3A_11 = arith.constant 0 : i32
    %dma_start3A_12 = tpu.memref_slice %arg2[%dma_start3A_10, %dma_start3A_11] : memref<10000x16xf32, #tpu.memory_space<hbm>> -> memref<10000x16xf32, #tpu.memory_space<hbm>>
    %dma_start3A_13 = tpu.memref_slice %arg7[%dma_start3A_3] : memref<4x!tpu.dma_semaphore, #tpu.memory_space<semaphore_mem>> -> memref<1x!tpu.dma_semaphore, #tpu.memory_space<semaphore_mem>>
    %dma_start3A_14 = tpu.memref_squeeze %dma_start3A_13 : memref<1x!tpu.dma_semaphore, #tpu.memory_space<semaphore_mem>> -> memref<!tpu.dma_semaphore, #tpu.memory_space<semaphore_mem>>
    tpu.enqueue_indirect_dma source(%dma_start3A_12 : memref<10000x16xf32, #tpu.memory_space<hbm>>) target(%dma_start3A_7 : memref<128x16xf32, #tpu.memory_space<vmem>>) offsets(%dma_start3A_9 : memref<128xi32, #tpu.memory_space<vmem>>) semaphore(%dma_start3A_14 : memref<!tpu.dma_semaphore, #tpu.memory_space<semaphore_mem>>)
    %dma_start3A_15 = arith.constant 1 : i32
    %dma_start3A_16 = arith.constant 1 : i32
    %dma_start3A_17 = arith.constant 0 : i32
    %dma_start3A_18 = arith.constant 0 : i32
    %dma_start3A_19 = tpu.memref_slice %arg6[%dma_start3A_15, %dma_start3A_17, %dma_start3A_18] : memref<4x128x16xf32, #tpu.memory_space<vmem>> -> memref<1x128x16xf32, #tpu.memory_space<vmem>>
    %dma_start3A_20 = tpu.memref_squeeze %dma_start3A_19 : memref<1x128x16xf32, #tpu.memory_space<vmem>> -> memref<128x16xf32, #tpu.memory_space<vmem>>
    %dma_start3A_21 = arith.constant 128 : i32
    %dma_start3A_22 = tpu.memref_slice %arg5[%dma_start3A_21] : memref<5120xi32, #tpu.memory_space<vmem>> -> memref<128xi32, #tpu.memory_space<vmem>>
    %dma_start3A_23 = arith.constant 0 : i32
    %dma_start3A_24 = arith.constant 0 : i32
    %dma_start3A_25 = tpu.memref_slice %arg2[%dma_start3A_23, %dma_start3A_24] : memref<10000x16xf32, #tpu.memory_space<hbm>> -> memref<10000x16xf32, #tpu.memory_space<hbm>>
    %dma_start3A_26 = tpu.memref_slice %arg7[%dma_start3A_16] : memref<4x!tpu.dma_semaphore, #tpu.memory_space<semaphore_mem>> -> memref<1x!tpu.dma_semaphore, #tpu.memory_space<semaphore_mem>>
    %dma_start3A_27 = tpu.memref_squeeze %dma_start3A_26 : memref<1x!tpu.dma_semaphore, #tpu.memory_space<semaphore_mem>> -> memref<!tpu.dma_semaphore, #tpu.memory_space<semaphore_mem>>
    tpu.enqueue_indirect_dma source(%dma_start3A_25 : memref<10000x16xf32, #tpu.memory_space<hbm>>) target(%dma_start3A_20 : memref<128x16xf32, #tpu.memory_space<vmem>>) offsets(%dma_start3A_22 : memref<128xi32, #tpu.memory_space<vmem>>) semaphore(%dma_start3A_27 : memref<!tpu.dma_semaphore, #tpu.memory_space<semaphore_mem>>)
    %scan3A = arith.constant 0 : i32
    %scan3A_28 = arith.constant 10 : i32
    %scan3A_29 = arith.addi %scan3A, %scan3A_28 : i32
    %scan3A_30 = arith.constant 1 : i32
    scf.for %scan3A_95 = %scan3A to %scan3A_29 step %scan3A_30  : i32 {
      %mul3A_96 = arith.constant 4 : i32
      %mul3A_97 = arith.muli %scan3A_95, %mul3A_96 : i32
      %add3A_98 = arith.constant 0 : i32
      %add3A_99 = arith.addi %add3A_98, %mul3A_97 : i32
      %add3A_100 = arith.constant 0 : i32
      %add3A_101 = arith.addi %add3A_99, %add3A_100 : i32
      %add3A_102 = arith.constant 2 : i32
      %add3A_103 = arith.addi %add3A_101, %add3A_102 : i32
      %lt3A = arith.constant 40 : i32
      %lt3A_104 = arith.cmpi slt, %add3A_103, %lt3A : i32
      %convert_element_type3A = arith.extui %lt3A_104 : i1 to i32
      %cond3A = arith.constant 0 : i32
      %cond3A_105 = arith.cmpi ne, %convert_element_type3A, %cond3A : i32
      scf.if %cond3A_105 {
        %add3A_273 = arith.constant 2 : i32
        %add3A_274 = arith.addi %add3A_101, %add3A_273 : i32
        %ge3A = arith.constant 4 : i32
        %ge3A_275 = arith.cmpi sge, %add3A_274, %ge3A : i32
        %convert_element_type3A_276 = arith.extui %ge3A_275 : i1 to i32
        %cond3A_277 = arith.constant 0 : i32
        %cond3A_278 = arith.cmpi ne, %convert_element_type3A_276, %cond3A_277 : i32
        scf.if %cond3A_278 {
          %dma_wait3A_295 = arith.constant 2 : i32
          %dma_wait3A_296 = arith.constant 2 : i32
          %dma_wait3A_297 = arith.constant 0 : i32
          %dma_wait3A_298 = arith.constant 0 : i32
          %dma_wait3A_299 = tpu.memref_slice %arg6[%dma_wait3A_295, %dma_wait3A_297, %dma_wait3A_298] : memref<4x128x16xf32, #tpu.memory_space<vmem>> -> memref<1x128x16xf32, #tpu.memory_space<vmem>>
          %dma_wait3A_300 = tpu.memref_squeeze %dma_wait3A_299 : memref<1x128x16xf32, #tpu.memory_space<vmem>> -> memref<128x16xf32, #tpu.memory_space<vmem>>
          %dma_wait3A_301 = arith.constant 0 : i32
          %dma_wait3A_302 = tpu.memref_slice %arg4[%mul3A_2, %dma_wait3A_301] : memref<163840x16xf32, #tpu.memory_space<hbm>> -> memref<128x16xf32, #tpu.memory_space<hbm>>
          %dma_wait3A_303 = tpu.memref_slice %arg8[%dma_wait3A_296] : memref<4x!tpu.dma_semaphore, #tpu.memory_space<semaphore_mem>> -> memref<1x!tpu.dma_semaphore, #tpu.memory_space<semaphore_mem>>
          %dma_wait3A_304 = tpu.memref_squeeze %dma_wait3A_303 : memref<1x!tpu.dma_semaphore, #tpu.memory_space<semaphore_mem>> -> memref<!tpu.dma_semaphore, #tpu.memory_space<semaphore_mem>>
          %dma_wait3A_305 = arith.constant 0 : i32
          %dma_wait3A_306 = tpu.memref_slice %arg4[%mul3A_2, %dma_wait3A_305] : memref<163840x16xf32, #tpu.memory_space<hbm>> -> memref<128x16xf32, #tpu.memory_space<hbm>>
          %dma_wait3A_307 = arith.constant 0 : i32
          %dma_wait3A_308 = arith.constant 0 : i32
          %dma_wait3A_309 = tpu.memref_slice %arg6[%dma_wait3A_295, %dma_wait3A_307, %dma_wait3A_308] : memref<4x128x16xf32, #tpu.memory_space<vmem>> -> memref<1x128x16xf32, #tpu.memory_space<vmem>>
          %dma_wait3A_310 = tpu.memref_squeeze %dma_wait3A_309 : memref<1x128x16xf32, #tpu.memory_space<vmem>> -> memref<128x16xf32, #tpu.memory_space<vmem>>
          tpu.wait_dma2 semaphore(%dma_wait3A_304 : memref<!tpu.dma_semaphore, #tpu.memory_space<semaphore_mem>>) src(%dma_wait3A_310 : memref<128x16xf32, #tpu.memory_space<vmem>>) dst(%dma_wait3A_306 : memref<128x16xf32, #tpu.memory_space<hbm>>)
        } else {
        }
        %add3A_279 = arith.constant 2 : i32
        %add3A_280 = arith.addi %add3A_101, %add3A_279 : i32
        %mul3A_281 = arith.constant 128 : i32
        %mul3A_282 = arith.muli %add3A_280, %mul3A_281 : i32
        %dma_start3A_283 = arith.constant 2 : i32
        %dma_start3A_284 = arith.constant 2 : i32
        %dma_start3A_285 = arith.constant 0 : i32
        %dma_start3A_286 = arith.constant 0 : i32
        %dma_start3A_287 = tpu.memref_slice %arg6[%dma_start3A_283, %dma_start3A_285, %dma_start3A_286] : memref<4x128x16xf32, #tpu.memory_space<vmem>> -> memref<1x128x16xf32, #tpu.memory_space<vmem>>
        %dma_start3A_288 = tpu.memref_squeeze %dma_start3A_287 : memref<1x128x16xf32, #tpu.memory_space<vmem>> -> memref<128x16xf32, #tpu.memory_space<vmem>>
        %dma_start3A_289 = tpu.memref_slice %arg5[%mul3A_282] : memref<5120xi32, #tpu.memory_space<vmem>> -> memref<128xi32, #tpu.memory_space<vmem>>
        %dma_start3A_290 = arith.constant 0 : i32
        %dma_start3A_291 = arith.constant 0 : i32
        %dma_start3A_292 = tpu.memref_slice %arg2[%dma_start3A_290, %dma_start3A_291] : memref<10000x16xf32, #tpu.memory_space<hbm>> -> memref<10000x16xf32, #tpu.memory_space<hbm>>
        %dma_start3A_293 = tpu.memref_slice %arg7[%dma_start3A_284] : memref<4x!tpu.dma_semaphore, #tpu.memory_space<semaphore_mem>> -> memref<1x!tpu.dma_semaphore, #tpu.memory_space<semaphore_mem>>
        %dma_start3A_294 = tpu.memref_squeeze %dma_start3A_293 : memref<1x!tpu.dma_semaphore, #tpu.memory_space<semaphore_mem>> -> memref<!tpu.dma_semaphore, #tpu.memory_space<semaphore_mem>>
        tpu.enqueue_indirect_dma source(%dma_start3A_292 : memref<10000x16xf32, #tpu.memory_space<hbm>>) target(%dma_start3A_288 : memref<128x16xf32, #tpu.memory_space<vmem>>) offsets(%dma_start3A_289 : memref<128xi32, #tpu.memory_space<vmem>>) semaphore(%dma_start3A_294 : memref<!tpu.dma_semaphore, #tpu.memory_space<semaphore_mem>>)
      } else {
      }
      %dma_wait3A_106 = arith.constant 0 : i32
      %dma_wait3A_107 = arith.constant 0 : i32
      %dma_wait3A_108 = arith.constant 0 : i32
      %dma_wait3A_109 = arith.constant 0 : i32
      %dma_wait3A_110 = tpu.memref_slice %arg6[%dma_wait3A_106, %dma_wait3A_108, %dma_wait3A_109] : memref<4x128x16xf32, #tpu.memory_space<vmem>> -> memref<1x128x16xf32, #tpu.memory_space<vmem>>
      %dma_wait3A_111 = tpu.memref_squeeze %dma_wait3A_110 : memref<1x128x16xf32, #tpu.memory_space<vmem>> -> memref<128x16xf32, #tpu.memory_space<vmem>>
      %dma_wait3A_112 = arith.constant 0 : i32
      %dma_wait3A_113 = tpu.memref_slice %arg4[%mul3A_2, %dma_wait3A_112] : memref<163840x16xf32, #tpu.memory_space<hbm>> -> memref<128x16xf32, #tpu.memory_space<hbm>>
      %dma_wait3A_114 = tpu.memref_slice %arg7[%dma_wait3A_107] : memref<4x!tpu.dma_semaphore, #tpu.memory_space<semaphore_mem>> -> memref<1x!tpu.dma_semaphore, #tpu.memory_space<semaphore_mem>>
      %dma_wait3A_115 = tpu.memref_squeeze %dma_wait3A_114 : memref<1x!tpu.dma_semaphore, #tpu.memory_space<semaphore_mem>> -> memref<!tpu.dma_semaphore, #tpu.memory_space<semaphore_mem>>
      %dma_wait3A_116 = arith.constant 0 : i32
      %dma_wait3A_117 = arith.constant 0 : i32
      %dma_wait3A_118 = tpu.memref_slice %arg6[%dma_wait3A_106, %dma_wait3A_116, %dma_wait3A_117] : memref<4x128x16xf32, #tpu.memory_space<vmem>> -> memref<1x128x16xf32, #tpu.memory_space<vmem>>
      %dma_wait3A_119 = tpu.memref_squeeze %dma_wait3A_118 : memref<1x128x16xf32, #tpu.memory_space<vmem>> -> memref<128x16xf32, #tpu.memory_space<vmem>>
      %dma_wait3A_120 = arith.constant 0 : i32
      %dma_wait3A_121 = tpu.memref_slice %arg4[%mul3A_2, %dma_wait3A_120] : memref<163840x16xf32, #tpu.memory_space<hbm>> -> memref<128x16xf32, #tpu.memory_space<hbm>>
      tpu.wait_dma2 semaphore(%dma_wait3A_115 : memref<!tpu.dma_semaphore, #tpu.memory_space<semaphore_mem>>) src(%dma_wait3A_121 : memref<128x16xf32, #tpu.memory_space<hbm>>) dst(%dma_wait3A_119 : memref<128x16xf32, #tpu.memory_space<vmem>>)
      %mul3A_122 = arith.constant 128 : i32
      %mul3A_123 = arith.muli %add3A_101, %mul3A_122 : i32
      %add3A_124 = arith.addi %mul3A_2, %mul3A_123 : i32
      %dma_start3A_125 = arith.constant 0 : i32
      %dma_start3A_126 = arith.constant 0 : i32
      %dma_start3A_127 = arith.constant 0 : i32
      %dma_start3A_128 = arith.constant 0 : i32
      %dma_start3A_129 = tpu.memref_slice %arg6[%dma_start3A_125, %dma_start3A_127, %dma_start3A_128] : memref<4x128x16xf32, #tpu.memory_space<vmem>> -> memref<1x128x16xf32, #tpu.memory_space<vmem>>
      %dma_start3A_130 = tpu.memref_squeeze %dma_start3A_129 : memref<1x128x16xf32, #tpu.memory_space<vmem>> -> memref<128x16xf32, #tpu.memory_space<vmem>>
      %dma_start3A_131 = arith.constant 0 : i32
      %dma_start3A_132 = tpu.memref_slice %arg4[%add3A_124, %dma_start3A_131] : memref<163840x16xf32, #tpu.memory_space<hbm>> -> memref<128x16xf32, #tpu.memory_space<hbm>>
      %dma_start3A_133 = tpu.memref_slice %arg8[%dma_start3A_126] : memref<4x!tpu.dma_semaphore, #tpu.memory_space<semaphore_mem>> -> memref<1x!tpu.dma_semaphore, #tpu.memory_space<semaphore_mem>>
      %dma_start3A_134 = tpu.memref_squeeze %dma_start3A_133 : memref<1x!tpu.dma_semaphore, #tpu.memory_space<semaphore_mem>> -> memref<!tpu.dma_semaphore, #tpu.memory_space<semaphore_mem>>
      %dma_start3A_135 = arith.constant 0 : i32
      %dma_start3A_136 = tpu.memref_slice %arg4[%add3A_124, %dma_start3A_135] : memref<163840x16xf32, #tpu.memory_space<hbm>> -> memref<128x16xf32, #tpu.memory_space<hbm>>
      %dma_start3A_137 = arith.constant 0 : i32
      %dma_start3A_138 = arith.constant 0 : i32
      %dma_start3A_139 = tpu.memref_slice %arg6[%dma_start3A_125, %dma_start3A_137, %dma_start3A_138] : memref<4x128x16xf32, #tpu.memory_space<vmem>> -> memref<1x128x16xf32, #tpu.memory_space<vmem>>
      %dma_start3A_140 = tpu.memref_squeeze %dma_start3A_139 : memref<1x128x16xf32, #tpu.memory_space<vmem>> -> memref<128x16xf32, #tpu.memory_space<vmem>>
      tpu.enqueue_dma source(%dma_start3A_140 : memref<128x16xf32, #tpu.memory_space<vmem>>) target(%dma_start3A_136 : memref<128x16xf32, #tpu.memory_space<hbm>>) target_semaphore(%dma_start3A_134 : memref<!tpu.dma_semaphore, #tpu.memory_space<semaphore_mem>>)
      %add3A_141 = arith.constant 1 : i32
      %add3A_142 = arith.addi %add3A_99, %add3A_141 : i32
      %add3A_143 = arith.constant 2 : i32
      %add3A_144 = arith.addi %add3A_142, %add3A_143 : i32
      %lt3A_145 = arith.constant 40 : i32
      %lt3A_146 = arith.cmpi slt, %add3A_144, %lt3A_145 : i32
      %convert_element_type3A_147 = arith.extui %lt3A_146 : i1 to i32
      %cond3A_148 = arith.constant 0 : i32
      %cond3A_149 = arith.cmpi ne, %convert_element_type3A_147, %cond3A_148 : i32
      scf.if %cond3A_149 {
        %add3A_273 = arith.constant 2 : i32
        %add3A_274 = arith.addi %add3A_142, %add3A_273 : i32
        %ge3A = arith.constant 4 : i32
        %ge3A_275 = arith.cmpi sge, %add3A_274, %ge3A : i32
        %convert_element_type3A_276 = arith.extui %ge3A_275 : i1 to i32
        %cond3A_277 = arith.constant 0 : i32
        %cond3A_278 = arith.cmpi ne, %convert_element_type3A_276, %cond3A_277 : i32
        scf.if %cond3A_278 {
          %dma_wait3A_295 = arith.constant 3 : i32
          %dma_wait3A_296 = arith.constant 3 : i32
          %dma_wait3A_297 = arith.constant 0 : i32
          %dma_wait3A_298 = arith.constant 0 : i32
          %dma_wait3A_299 = tpu.memref_slice %arg6[%dma_wait3A_295, %dma_wait3A_297, %dma_wait3A_298] : memref<4x128x16xf32, #tpu.memory_space<vmem>> -> memref<1x128x16xf32, #tpu.memory_space<vmem>>
          %dma_wait3A_300 = tpu.memref_squeeze %dma_wait3A_299 : memref<1x128x16xf32, #tpu.memory_space<vmem>> -> memref<128x16xf32, #tpu.memory_space<vmem>>
          %dma_wait3A_301 = arith.constant 0 : i32
          %dma_wait3A_302 = tpu.memref_slice %arg4[%mul3A_2, %dma_wait3A_301] : memref<163840x16xf32, #tpu.memory_space<hbm>> -> memref<128x16xf32, #tpu.memory_space<hbm>>
          %dma_wait3A_303 = tpu.memref_slice %arg8[%dma_wait3A_296] : memref<4x!tpu.dma_semaphore, #tpu.memory_space<semaphore_mem>> -> memref<1x!tpu.dma_semaphore, #tpu.memory_space<semaphore_mem>>
          %dma_wait3A_304 = tpu.memref_squeeze %dma_wait3A_303 : memref<1x!tpu.dma_semaphore, #tpu.memory_space<semaphore_mem>> -> memref<!tpu.dma_semaphore, #tpu.memory_space<semaphore_mem>>
          %dma_wait3A_305 = arith.constant 0 : i32
          %dma_wait3A_306 = tpu.memref_slice %arg4[%mul3A_2, %dma_wait3A_305] : memref<163840x16xf32, #tpu.memory_space<hbm>> -> memref<128x16xf32, #tpu.memory_space<hbm>>
          %dma_wait3A_307 = arith.constant 0 : i32
          %dma_wait3A_308 = arith.constant 0 : i32
          %dma_wait3A_309 = tpu.memref_slice %arg6[%dma_wait3A_295, %dma_wait3A_307, %dma_wait3A_308] : memref<4x128x16xf32, #tpu.memory_space<vmem>> -> memref<1x128x16xf32, #tpu.memory_space<vmem>>
          %dma_wait3A_310 = tpu.memref_squeeze %dma_wait3A_309 : memref<1x128x16xf32, #tpu.memory_space<vmem>> -> memref<128x16xf32, #tpu.memory_space<vmem>>
          tpu.wait_dma2 semaphore(%dma_wait3A_304 : memref<!tpu.dma_semaphore, #tpu.memory_space<semaphore_mem>>) src(%dma_wait3A_310 : memref<128x16xf32, #tpu.memory_space<vmem>>) dst(%dma_wait3A_306 : memref<128x16xf32, #tpu.memory_space<hbm>>)
        } else {
        }
        %add3A_279 = arith.constant 2 : i32
        %add3A_280 = arith.addi %add3A_142, %add3A_279 : i32
        %mul3A_281 = arith.constant 128 : i32
        %mul3A_282 = arith.muli %add3A_280, %mul3A_281 : i32
        %dma_start3A_283 = arith.constant 3 : i32
        %dma_start3A_284 = arith.constant 3 : i32
        %dma_start3A_285 = arith.constant 0 : i32
        %dma_start3A_286 = arith.constant 0 : i32
        %dma_start3A_287 = tpu.memref_slice %arg6[%dma_start3A_283, %dma_start3A_285, %dma_start3A_286] : memref<4x128x16xf32, #tpu.memory_space<vmem>> -> memref<1x128x16xf32, #tpu.memory_space<vmem>>
        %dma_start3A_288 = tpu.memref_squeeze %dma_start3A_287 : memref<1x128x16xf32, #tpu.memory_space<vmem>> -> memref<128x16xf32, #tpu.memory_space<vmem>>
        %dma_start3A_289 = tpu.memref_slice %arg5[%mul3A_282] : memref<5120xi32, #tpu.memory_space<vmem>> -> memref<128xi32, #tpu.memory_space<vmem>>
        %dma_start3A_290 = arith.constant 0 : i32
        %dma_start3A_291 = arith.constant 0 : i32
        %dma_start3A_292 = tpu.memref_slice %arg2[%dma_start3A_290, %dma_start3A_291] : memref<10000x16xf32, #tpu.memory_space<hbm>> -> memref<10000x16xf32, #tpu.memory_space<hbm>>
        %dma_start3A_293 = tpu.memref_slice %arg7[%dma_start3A_284] : memref<4x!tpu.dma_semaphore, #tpu.memory_space<semaphore_mem>> -> memref<1x!tpu.dma_semaphore, #tpu.memory_space<semaphore_mem>>
        %dma_start3A_294 = tpu.memref_squeeze %dma_start3A_293 : memref<1x!tpu.dma_semaphore, #tpu.memory_space<semaphore_mem>> -> memref<!tpu.dma_semaphore, #tpu.memory_space<semaphore_mem>>
        tpu.enqueue_indirect_dma source(%dma_start3A_292 : memref<10000x16xf32, #tpu.memory_space<hbm>>) target(%dma_start3A_288 : memref<128x16xf32, #tpu.memory_space<vmem>>) offsets(%dma_start3A_289 : memref<128xi32, #tpu.memory_space<vmem>>) semaphore(%dma_start3A_294 : memref<!tpu.dma_semaphore, #tpu.memory_space<semaphore_mem>>)
      } else {
      }
      %dma_wait3A_150 = arith.constant 1 : i32
      %dma_wait3A_151 = arith.constant 1 : i32
      %dma_wait3A_152 = arith.constant 0 : i32
      %dma_wait3A_153 = arith.constant 0 : i32
      %dma_wait3A_154 = tpu.memref_slice %arg6[%dma_wait3A_150, %dma_wait3A_152, %dma_wait3A_153] : memref<4x128x16xf32, #tpu.memory_space<vmem>> -> memref<1x128x16xf32, #tpu.memory_space<vmem>>
      %dma_wait3A_155 = tpu.memref_squeeze %dma_wait3A_154 : memref<1x128x16xf32, #tpu.memory_space<vmem>> -> memref<128x16xf32, #tpu.memory_space<vmem>>
      %dma_wait3A_156 = arith.constant 0 : i32
      %dma_wait3A_157 = tpu.memref_slice %arg4[%mul3A_2, %dma_wait3A_156] : memref<163840x16xf32, #tpu.memory_space<hbm>> -> memref<128x16xf32, #tpu.memory_space<hbm>>
      %dma_wait3A_158 = tpu.memref_slice %arg7[%dma_wait3A_151] : memref<4x!tpu.dma_semaphore, #tpu.memory_space<semaphore_mem>> -> memref<1x!tpu.dma_semaphore, #tpu.memory_space<semaphore_mem>>
      %dma_wait3A_159 = tpu.memref_squeeze %dma_wait3A_158 : memref<1x!tpu.dma_semaphore, #tpu.memory_space<semaphore_mem>> -> memref<!tpu.dma_semaphore, #tpu.memory_space<semaphore_mem>>
      %dma_wait3A_160 = arith.constant 0 : i32
      %dma_wait3A_161 = arith.constant 0 : i32
      %dma_wait3A_162 = tpu.memref_slice %arg6[%dma_wait3A_150, %dma_wait3A_160, %dma_wait3A_161] : memref<4x128x16xf32, #tpu.memory_space<vmem>> -> memref<1x128x16xf32, #tpu.memory_space<vmem>>
      %dma_wait3A_163 = tpu.memref_squeeze %dma_wait3A_162 : memref<1x128x16xf32, #tpu.memory_space<vmem>> -> memref<128x16xf32, #tpu.memory_space<vmem>>
      %dma_wait3A_164 = arith.constant 0 : i32
      %dma_wait3A_165 = tpu.memref_slice %arg4[%mul3A_2, %dma_wait3A_164] : memref<163840x16xf32, #tpu.memory_space<hbm>> -> memref<128x16xf32, #tpu.memory_space<hbm>>
      tpu.wait_dma2 semaphore(%dma_wait3A_159 : memref<!tpu.dma_semaphore, #tpu.memory_space<semaphore_mem>>) src(%dma_wait3A_165 : memref<128x16xf32, #tpu.memory_space<hbm>>) dst(%dma_wait3A_163 : memref<128x16xf32, #tpu.memory_space<vmem>>)
      %mul3A_166 = arith.constant 128 : i32
      %mul3A_167 = arith.muli %add3A_142, %mul3A_166 : i32
      %add3A_168 = arith.addi %mul3A_2, %mul3A_167 : i32
      %dma_start3A_169 = arith.constant 1 : i32
      %dma_start3A_170 = arith.constant 1 : i32
      %dma_start3A_171 = arith.constant 0 : i32
      %dma_start3A_172 = arith.constant 0 : i32
      %dma_start3A_173 = tpu.memref_slice %arg6[%dma_start3A_169, %dma_start3A_171, %dma_start3A_172] : memref<4x128x16xf32, #tpu.memory_space<vmem>> -> memref<1x128x16xf32, #tpu.memory_space<vmem>>
      %dma_start3A_174 = tpu.memref_squeeze %dma_start3A_173 : memref<1x128x16xf32, #tpu.memory_space<vmem>> -> memref<128x16xf32, #tpu.memory_space<vmem>>
      %dma_start3A_175 = arith.constant 0 : i32
      %dma_start3A_176 = tpu.memref_slice %arg4[%add3A_168, %dma_start3A_175] : memref<163840x16xf32, #tpu.memory_space<hbm>> -> memref<128x16xf32, #tpu.memory_space<hbm>>
      %dma_start3A_177 = tpu.memref_slice %arg8[%dma_start3A_170] : memref<4x!tpu.dma_semaphore, #tpu.memory_space<semaphore_mem>> -> memref<1x!tpu.dma_semaphore, #tpu.memory_space<semaphore_mem>>
      %dma_start3A_178 = tpu.memref_squeeze %dma_start3A_177 : memref<1x!tpu.dma_semaphore, #tpu.memory_space<semaphore_mem>> -> memref<!tpu.dma_semaphore, #tpu.memory_space<semaphore_mem>>
      %dma_start3A_179 = arith.constant 0 : i32
      %dma_start3A_180 = tpu.memref_slice %arg4[%add3A_168, %dma_start3A_179] : memref<163840x16xf32, #tpu.memory_space<hbm>> -> memref<128x16xf32, #tpu.memory_space<hbm>>
      %dma_start3A_181 = arith.constant 0 : i32
      %dma_start3A_182 = arith.constant 0 : i32
      %dma_start3A_183 = tpu.memref_slice %arg6[%dma_start3A_169, %dma_start3A_181, %dma_start3A_182] : memref<4x128x16xf32, #tpu.memory_space<vmem>> -> memref<1x128x16xf32, #tpu.memory_space<vmem>>
      %dma_start3A_184 = tpu.memref_squeeze %dma_start3A_183 : memref<1x128x16xf32, #tpu.memory_space<vmem>> -> memref<128x16xf32, #tpu.memory_space<vmem>>
      tpu.enqueue_dma source(%dma_start3A_184 : memref<128x16xf32, #tpu.memory_space<vmem>>) target(%dma_start3A_180 : memref<128x16xf32, #tpu.memory_space<hbm>>) target_semaphore(%dma_start3A_178 : memref<!tpu.dma_semaphore, #tpu.memory_space<semaphore_mem>>)
      %add3A_185 = arith.constant 2 : i32
      %add3A_186 = arith.addi %add3A_99, %add3A_185 : i32
      %add3A_187 = arith.constant 2 : i32
      %add3A_188 = arith.addi %add3A_186, %add3A_187 : i32
      %lt3A_189 = arith.constant 40 : i32
      %lt3A_190 = arith.cmpi slt, %add3A_188, %lt3A_189 : i32
      %convert_element_type3A_191 = arith.extui %lt3A_190 : i1 to i32
      %cond3A_192 = arith.constant 0 : i32
      %cond3A_193 = arith.cmpi ne, %convert_element_type3A_191, %cond3A_192 : i32
      scf.if %cond3A_193 {
        %add3A_273 = arith.constant 2 : i32
        %add3A_274 = arith.addi %add3A_186, %add3A_273 : i32
        %ge3A = arith.constant 4 : i32
        %ge3A_275 = arith.cmpi sge, %add3A_274, %ge3A : i32
        %convert_element_type3A_276 = arith.extui %ge3A_275 : i1 to i32
        %cond3A_277 = arith.constant 0 : i32
        %cond3A_278 = arith.cmpi ne, %convert_element_type3A_276, %cond3A_277 : i32
        scf.if %cond3A_278 {
          %dma_wait3A_295 = arith.constant 0 : i32
          %dma_wait3A_296 = arith.constant 0 : i32
          %dma_wait3A_297 = arith.constant 0 : i32
          %dma_wait3A_298 = arith.constant 0 : i32
          %dma_wait3A_299 = tpu.memref_slice %arg6[%dma_wait3A_295, %dma_wait3A_297, %dma_wait3A_298] : memref<4x128x16xf32, #tpu.memory_space<vmem>> -> memref<1x128x16xf32, #tpu.memory_space<vmem>>
          %dma_wait3A_300 = tpu.memref_squeeze %dma_wait3A_299 : memref<1x128x16xf32, #tpu.memory_space<vmem>> -> memref<128x16xf32, #tpu.memory_space<vmem>>
          %dma_wait3A_301 = arith.constant 0 : i32
          %dma_wait3A_302 = tpu.memref_slice %arg4[%mul3A_2, %dma_wait3A_301] : memref<163840x16xf32, #tpu.memory_space<hbm>> -> memref<128x16xf32, #tpu.memory_space<hbm>>
          %dma_wait3A_303 = tpu.memref_slice %arg8[%dma_wait3A_296] : memref<4x!tpu.dma_semaphore, #tpu.memory_space<semaphore_mem>> -> memref<1x!tpu.dma_semaphore, #tpu.memory_space<semaphore_mem>>
          %dma_wait3A_304 = tpu.memref_squeeze %dma_wait3A_303 : memref<1x!tpu.dma_semaphore, #tpu.memory_space<semaphore_mem>> -> memref<!tpu.dma_semaphore, #tpu.memory_space<semaphore_mem>>
          %dma_wait3A_305 = arith.constant 0 : i32
          %dma_wait3A_306 = tpu.memref_slice %arg4[%mul3A_2, %dma_wait3A_305] : memref<163840x16xf32, #tpu.memory_space<hbm>> -> memref<128x16xf32, #tpu.memory_space<hbm>>
          %dma_wait3A_307 = arith.constant 0 : i32
          %dma_wait3A_308 = arith.constant 0 : i32
          %dma_wait3A_309 = tpu.memref_slice %arg6[%dma_wait3A_295, %dma_wait3A_307, %dma_wait3A_308] : memref<4x128x16xf32, #tpu.memory_space<vmem>> -> memref<1x128x16xf32, #tpu.memory_space<vmem>>
          %dma_wait3A_310 = tpu.memref_squeeze %dma_wait3A_309 : memref<1x128x16xf32, #tpu.memory_space<vmem>> -> memref<128x16xf32, #tpu.memory_space<vmem>>
          tpu.wait_dma2 semaphore(%dma_wait3A_304 : memref<!tpu.dma_semaphore, #tpu.memory_space<semaphore_mem>>) src(%dma_wait3A_310 : memref<128x16xf32, #tpu.memory_space<vmem>>) dst(%dma_wait3A_306 : memref<128x16xf32, #tpu.memory_space<hbm>>)
        } else {
        }
        %add3A_279 = arith.constant 2 : i32
        %add3A_280 = arith.addi %add3A_186, %add3A_279 : i32
        %mul3A_281 = arith.constant 128 : i32
        %mul3A_282 = arith.muli %add3A_280, %mul3A_281 : i32
        %dma_start3A_283 = arith.constant 0 : i32
        %dma_start3A_284 = arith.constant 0 : i32
        %dma_start3A_285 = arith.constant 0 : i32
        %dma_start3A_286 = arith.constant 0 : i32
        %dma_start3A_287 = tpu.memref_slice %arg6[%dma_start3A_283, %dma_start3A_285, %dma_start3A_286] : memref<4x128x16xf32, #tpu.memory_space<vmem>> -> memref<1x128x16xf32, #tpu.memory_space<vmem>>
        %dma_start3A_288 = tpu.memref_squeeze %dma_start3A_287 : memref<1x128x16xf32, #tpu.memory_space<vmem>> -> memref<128x16xf32, #tpu.memory_space<vmem>>
        %dma_start3A_289 = tpu.memref_slice %arg5[%mul3A_282] : memref<5120xi32, #tpu.memory_space<vmem>> -> memref<128xi32, #tpu.memory_space<vmem>>
        %dma_start3A_290 = arith.constant 0 : i32
        %dma_start3A_291 = arith.constant 0 : i32
        %dma_start3A_292 = tpu.memref_slice %arg2[%dma_start3A_290, %dma_start3A_291] : memref<10000x16xf32, #tpu.memory_space<hbm>> -> memref<10000x16xf32, #tpu.memory_space<hbm>>
        %dma_start3A_293 = tpu.memref_slice %arg7[%dma_start3A_284] : memref<4x!tpu.dma_semaphore, #tpu.memory_space<semaphore_mem>> -> memref<1x!tpu.dma_semaphore, #tpu.memory_space<semaphore_mem>>
        %dma_start3A_294 = tpu.memref_squeeze %dma_start3A_293 : memref<1x!tpu.dma_semaphore, #tpu.memory_space<semaphore_mem>> -> memref<!tpu.dma_semaphore, #tpu.memory_space<semaphore_mem>>
        tpu.enqueue_indirect_dma source(%dma_start3A_292 : memref<10000x16xf32, #tpu.memory_space<hbm>>) target(%dma_start3A_288 : memref<128x16xf32, #tpu.memory_space<vmem>>) offsets(%dma_start3A_289 : memref<128xi32, #tpu.memory_space<vmem>>) semaphore(%dma_start3A_294 : memref<!tpu.dma_semaphore, #tpu.memory_space<semaphore_mem>>)
      } else {
      }
      %dma_wait3A_194 = arith.constant 2 : i32
      %dma_wait3A_195 = arith.constant 2 : i32
      %dma_wait3A_196 = arith.constant 0 : i32
      %dma_wait3A_197 = arith.constant 0 : i32
      %dma_wait3A_198 = tpu.memref_slice %arg6[%dma_wait3A_194, %dma_wait3A_196, %dma_wait3A_197] : memref<4x128x16xf32, #tpu.memory_space<vmem>> -> memref<1x128x16xf32, #tpu.memory_space<vmem>>
      %dma_wait3A_199 = tpu.memref_squeeze %dma_wait3A_198 : memref<1x128x16xf32, #tpu.memory_space<vmem>> -> memref<128x16xf32, #tpu.memory_space<vmem>>
      %dma_wait3A_200 = arith.constant 0 : i32
      %dma_wait3A_201 = tpu.memref_slice %arg4[%mul3A_2, %dma_wait3A_200] : memref<163840x16xf32, #tpu.memory_space<hbm>> -> memref<128x16xf32, #tpu.memory_space<hbm>>
      %dma_wait3A_202 = tpu.memref_slice %arg7[%dma_wait3A_195] : memref<4x!tpu.dma_semaphore, #tpu.memory_space<semaphore_mem>> -> memref<1x!tpu.dma_semaphore, #tpu.memory_space<semaphore_mem>>
      %dma_wait3A_203 = tpu.memref_squeeze %dma_wait3A_202 : memref<1x!tpu.dma_semaphore, #tpu.memory_space<semaphore_mem>> -> memref<!tpu.dma_semaphore, #tpu.memory_space<semaphore_mem>>
      %dma_wait3A_204 = arith.constant 0 : i32
      %dma_wait3A_205 = arith.constant 0 : i32
      %dma_wait3A_206 = tpu.memref_slice %arg6[%dma_wait3A_194, %dma_wait3A_204, %dma_wait3A_205] : memref<4x128x16xf32, #tpu.memory_space<vmem>> -> memref<1x128x16xf32, #tpu.memory_space<vmem>>
      %dma_wait3A_207 = tpu.memref_squeeze %dma_wait3A_206 : memref<1x128x16xf32, #tpu.memory_space<vmem>> -> memref<128x16xf32, #tpu.memory_space<vmem>>
      %dma_wait3A_208 = arith.constant 0 : i32
      %dma_wait3A_209 = tpu.memref_slice %arg4[%mul3A_2, %dma_wait3A_208] : memref<163840x16xf32, #tpu.memory_space<hbm>> -> memref<128x16xf32, #tpu.memory_space<hbm>>
      tpu.wait_dma2 semaphore(%dma_wait3A_203 : memref<!tpu.dma_semaphore, #tpu.memory_space<semaphore_mem>>) src(%dma_wait3A_209 : memref<128x16xf32, #tpu.memory_space<hbm>>) dst(%dma_wait3A_207 : memref<128x16xf32, #tpu.memory_space<vmem>>)
      %mul3A_210 = arith.constant 128 : i32
      %mul3A_211 = arith.muli %add3A_186, %mul3A_210 : i32
      %add3A_212 = arith.addi %mul3A_2, %mul3A_211 : i32
      %dma_start3A_213 = arith.constant 2 : i32
      %dma_start3A_214 = arith.constant 2 : i32
      %dma_start3A_215 = arith.constant 0 : i32
      %dma_start3A_216 = arith.constant 0 : i32
      %dma_start3A_217 = tpu.memref_slice %arg6[%dma_start3A_213, %dma_start3A_215, %dma_start3A_216] : memref<4x128x16xf32, #tpu.memory_space<vmem>> -> memref<1x128x16xf32, #tpu.memory_space<vmem>>
      %dma_start3A_218 = tpu.memref_squeeze %dma_start3A_217 : memref<1x128x16xf32, #tpu.memory_space<vmem>> -> memref<128x16xf32, #tpu.memory_space<vmem>>
      %dma_start3A_219 = arith.constant 0 : i32
      %dma_start3A_220 = tpu.memref_slice %arg4[%add3A_212, %dma_start3A_219] : memref<163840x16xf32, #tpu.memory_space<hbm>> -> memref<128x16xf32, #tpu.memory_space<hbm>>
      %dma_start3A_221 = tpu.memref_slice %arg8[%dma_start3A_214] : memref<4x!tpu.dma_semaphore, #tpu.memory_space<semaphore_mem>> -> memref<1x!tpu.dma_semaphore, #tpu.memory_space<semaphore_mem>>
      %dma_start3A_222 = tpu.memref_squeeze %dma_start3A_221 : memref<1x!tpu.dma_semaphore, #tpu.memory_space<semaphore_mem>> -> memref<!tpu.dma_semaphore, #tpu.memory_space<semaphore_mem>>
      %dma_start3A_223 = arith.constant 0 : i32
      %dma_start3A_224 = tpu.memref_slice %arg4[%add3A_212, %dma_start3A_223] : memref<163840x16xf32, #tpu.memory_space<hbm>> -> memref<128x16xf32, #tpu.memory_space<hbm>>
      %dma_start3A_225 = arith.constant 0 : i32
      %dma_start3A_226 = arith.constant 0 : i32
      %dma_start3A_227 = tpu.memref_slice %arg6[%dma_start3A_213, %dma_start3A_225, %dma_start3A_226] : memref<4x128x16xf32, #tpu.memory_space<vmem>> -> memref<1x128x16xf32, #tpu.memory_space<vmem>>
      %dma_start3A_228 = tpu.memref_squeeze %dma_start3A_227 : memref<1x128x16xf32, #tpu.memory_space<vmem>> -> memref<128x16xf32, #tpu.memory_space<vmem>>
      tpu.enqueue_dma source(%dma_start3A_228 : memref<128x16xf32, #tpu.memory_space<vmem>>) target(%dma_start3A_224 : memref<128x16xf32, #tpu.memory_space<hbm>>) target_semaphore(%dma_start3A_222 : memref<!tpu.dma_semaphore, #tpu.memory_space<semaphore_mem>>)
      %add3A_229 = arith.constant 3 : i32
      %add3A_230 = arith.addi %add3A_99, %add3A_229 : i32
      %add3A_231 = arith.constant 2 : i32
      %add3A_232 = arith.addi %add3A_230, %add3A_231 : i32
      %lt3A_233 = arith.constant 40 : i32
      %lt3A_234 = arith.cmpi slt, %add3A_232, %lt3A_233 : i32
      %convert_element_type3A_235 = arith.extui %lt3A_234 : i1 to i32
      %cond3A_236 = arith.constant 0 : i32
      %cond3A_237 = arith.cmpi ne, %convert_element_type3A_235, %cond3A_236 : i32
      scf.if %cond3A_237 {
        %add3A_273 = arith.constant 2 : i32
        %add3A_274 = arith.addi %add3A_230, %add3A_273 : i32
        %ge3A = arith.constant 4 : i32
        %ge3A_275 = arith.cmpi sge, %add3A_274, %ge3A : i32
        %convert_element_type3A_276 = arith.extui %ge3A_275 : i1 to i32
        %cond3A_277 = arith.constant 0 : i32
        %cond3A_278 = arith.cmpi ne, %convert_element_type3A_276, %cond3A_277 : i32
        scf.if %cond3A_278 {
          %dma_wait3A_295 = arith.constant 1 : i32
          %dma_wait3A_296 = arith.constant 1 : i32
          %dma_wait3A_297 = arith.constant 0 : i32
          %dma_wait3A_298 = arith.constant 0 : i32
          %dma_wait3A_299 = tpu.memref_slice %arg6[%dma_wait3A_295, %dma_wait3A_297, %dma_wait3A_298] : memref<4x128x16xf32, #tpu.memory_space<vmem>> -> memref<1x128x16xf32, #tpu.memory_space<vmem>>
          %dma_wait3A_300 = tpu.memref_squeeze %dma_wait3A_299 : memref<1x128x16xf32, #tpu.memory_space<vmem>> -> memref<128x16xf32, #tpu.memory_space<vmem>>
          %dma_wait3A_301 = arith.constant 0 : i32
          %dma_wait3A_302 = tpu.memref_slice %arg4[%mul3A_2, %dma_wait3A_301] : memref<163840x16xf32, #tpu.memory_space<hbm>> -> memref<128x16xf32, #tpu.memory_space<hbm>>
          %dma_wait3A_303 = tpu.memref_slice %arg8[%dma_wait3A_296] : memref<4x!tpu.dma_semaphore, #tpu.memory_space<semaphore_mem>> -> memref<1x!tpu.dma_semaphore, #tpu.memory_space<semaphore_mem>>
          %dma_wait3A_304 = tpu.memref_squeeze %dma_wait3A_303 : memref<1x!tpu.dma_semaphore, #tpu.memory_space<semaphore_mem>> -> memref<!tpu.dma_semaphore, #tpu.memory_space<semaphore_mem>>
          %dma_wait3A_305 = arith.constant 0 : i32
          %dma_wait3A_306 = tpu.memref_slice %arg4[%mul3A_2, %dma_wait3A_305] : memref<163840x16xf32, #tpu.memory_space<hbm>> -> memref<128x16xf32, #tpu.memory_space<hbm>>
          %dma_wait3A_307 = arith.constant 0 : i32
          %dma_wait3A_308 = arith.constant 0 : i32
          %dma_wait3A_309 = tpu.memref_slice %arg6[%dma_wait3A_295, %dma_wait3A_307, %dma_wait3A_308] : memref<4x128x16xf32, #tpu.memory_space<vmem>> -> memref<1x128x16xf32, #tpu.memory_space<vmem>>
          %dma_wait3A_310 = tpu.memref_squeeze %dma_wait3A_309 : memref<1x128x16xf32, #tpu.memory_space<vmem>> -> memref<128x16xf32, #tpu.memory_space<vmem>>
          tpu.wait_dma2 semaphore(%dma_wait3A_304 : memref<!tpu.dma_semaphore, #tpu.memory_space<semaphore_mem>>) src(%dma_wait3A_310 : memref<128x16xf32, #tpu.memory_space<vmem>>) dst(%dma_wait3A_306 : memref<128x16xf32, #tpu.memory_space<hbm>>)
        } else {
        }
        %add3A_279 = arith.constant 2 : i32
        %add3A_280 = arith.addi %add3A_230, %add3A_279 : i32
        %mul3A_281 = arith.constant 128 : i32
        %mul3A_282 = arith.muli %add3A_280, %mul3A_281 : i32
        %dma_start3A_283 = arith.constant 1 : i32
        %dma_start3A_284 = arith.constant 1 : i32
        %dma_start3A_285 = arith.constant 0 : i32
        %dma_start3A_286 = arith.constant 0 : i32
        %dma_start3A_287 = tpu.memref_slice %arg6[%dma_start3A_283, %dma_start3A_285, %dma_start3A_286] : memref<4x128x16xf32, #tpu.memory_space<vmem>> -> memref<1x128x16xf32, #tpu.memory_space<vmem>>
        %dma_start3A_288 = tpu.memref_squeeze %dma_start3A_287 : memref<1x128x16xf32, #tpu.memory_space<vmem>> -> memref<128x16xf32, #tpu.memory_space<vmem>>
        %dma_start3A_289 = tpu.memref_slice %arg5[%mul3A_282] : memref<5120xi32, #tpu.memory_space<vmem>> -> memref<128xi32, #tpu.memory_space<vmem>>
        %dma_start3A_290 = arith.constant 0 : i32
        %dma_start3A_291 = arith.constant 0 : i32
        %dma_start3A_292 = tpu.memref_slice %arg2[%dma_start3A_290, %dma_start3A_291] : memref<10000x16xf32, #tpu.memory_space<hbm>> -> memref<10000x16xf32, #tpu.memory_space<hbm>>
        %dma_start3A_293 = tpu.memref_slice %arg7[%dma_start3A_284] : memref<4x!tpu.dma_semaphore, #tpu.memory_space<semaphore_mem>> -> memref<1x!tpu.dma_semaphore, #tpu.memory_space<semaphore_mem>>
        %dma_start3A_294 = tpu.memref_squeeze %dma_start3A_293 : memref<1x!tpu.dma_semaphore, #tpu.memory_space<semaphore_mem>> -> memref<!tpu.dma_semaphore, #tpu.memory_space<semaphore_mem>>
        tpu.enqueue_indirect_dma source(%dma_start3A_292 : memref<10000x16xf32, #tpu.memory_space<hbm>>) target(%dma_start3A_288 : memref<128x16xf32, #tpu.memory_space<vmem>>) offsets(%dma_start3A_289 : memref<128xi32, #tpu.memory_space<vmem>>) semaphore(%dma_start3A_294 : memref<!tpu.dma_semaphore, #tpu.memory_space<semaphore_mem>>)
      } else {
      }
      %dma_wait3A_238 = arith.constant 3 : i32
      %dma_wait3A_239 = arith.constant 3 : i32
      %dma_wait3A_240 = arith.constant 0 : i32
      %dma_wait3A_241 = arith.constant 0 : i32
      %dma_wait3A_242 = tpu.memref_slice %arg6[%dma_wait3A_238, %dma_wait3A_240, %dma_wait3A_241] : memref<4x128x16xf32, #tpu.memory_space<vmem>> -> memref<1x128x16xf32, #tpu.memory_space<vmem>>
      %dma_wait3A_243 = tpu.memref_squeeze %dma_wait3A_242 : memref<1x128x16xf32, #tpu.memory_space<vmem>> -> memref<128x16xf32, #tpu.memory_space<vmem>>
      %dma_wait3A_244 = arith.constant 0 : i32
      %dma_wait3A_245 = tpu.memref_slice %arg4[%mul3A_2, %dma_wait3A_244] : memref<163840x16xf32, #tpu.memory_space<hbm>> -> memref<128x16xf32, #tpu.memory_space<hbm>>
      %dma_wait3A_246 = tpu.memref_slice %arg7[%dma_wait3A_239] : memref<4x!tpu.dma_semaphore, #tpu.memory_space<semaphore_mem>> -> memref<1x!tpu.dma_semaphore, #tpu.memory_space<semaphore_mem>>
      %dma_wait3A_247 = tpu.memref_squeeze %dma_wait3A_246 : memref<1x!tpu.dma_semaphore, #tpu.memory_space<semaphore_mem>> -> memref<!tpu.dma_semaphore, #tpu.memory_space<semaphore_mem>>
      %dma_wait3A_248 = arith.constant 0 : i32
      %dma_wait3A_249 = arith.constant 0 : i32
      %dma_wait3A_250 = tpu.memref_slice %arg6[%dma_wait3A_238, %dma_wait3A_248, %dma_wait3A_249] : memref<4x128x16xf32, #tpu.memory_space<vmem>> -> memref<1x128x16xf32, #tpu.memory_space<vmem>>
      %dma_wait3A_251 = tpu.memref_squeeze %dma_wait3A_250 : memref<1x128x16xf32, #tpu.memory_space<vmem>> -> memref<128x16xf32, #tpu.memory_space<vmem>>
      %dma_wait3A_252 = arith.constant 0 : i32
      %dma_wait3A_253 = tpu.memref_slice %arg4[%mul3A_2, %dma_wait3A_252] : memref<163840x16xf32, #tpu.memory_space<hbm>> -> memref<128x16xf32, #tpu.memory_space<hbm>>
      tpu.wait_dma2 semaphore(%dma_wait3A_247 : memref<!tpu.dma_semaphore, #tpu.memory_space<semaphore_mem>>) src(%dma_wait3A_253 : memref<128x16xf32, #tpu.memory_space<hbm>>) dst(%dma_wait3A_251 : memref<128x16xf32, #tpu.memory_space<vmem>>)
      %mul3A_254 = arith.constant 128 : i32
      %mul3A_255 = arith.muli %add3A_230, %mul3A_254 : i32
      %add3A_256 = arith.addi %mul3A_2, %mul3A_255 : i32
      %dma_start3A_257 = arith.constant 3 : i32
      %dma_start3A_258 = arith.constant 3 : i32
      %dma_start3A_259 = arith.constant 0 : i32
      %dma_start3A_260 = arith.constant 0 : i32
      %dma_start3A_261 = tpu.memref_slice %arg6[%dma_start3A_257, %dma_start3A_259, %dma_start3A_260] : memref<4x128x16xf32, #tpu.memory_space<vmem>> -> memref<1x128x16xf32, #tpu.memory_space<vmem>>
      %dma_start3A_262 = tpu.memref_squeeze %dma_start3A_261 : memref<1x128x16xf32, #tpu.memory_space<vmem>> -> memref<128x16xf32, #tpu.memory_space<vmem>>
      %dma_start3A_263 = arith.constant 0 : i32
      %dma_start3A_264 = tpu.memref_slice %arg4[%add3A_256, %dma_start3A_263] : memref<163840x16xf32, #tpu.memory_space<hbm>> -> memref<128x16xf32, #tpu.memory_space<hbm>>
      %dma_start3A_265 = tpu.memref_slice %arg8[%dma_start3A_258] : memref<4x!tpu.dma_semaphore, #tpu.memory_space<semaphore_mem>> -> memref<1x!tpu.dma_semaphore, #tpu.memory_space<semaphore_mem>>
      %dma_start3A_266 = tpu.memref_squeeze %dma_start3A_265 : memref<1x!tpu.dma_semaphore, #tpu.memory_space<semaphore_mem>> -> memref<!tpu.dma_semaphore, #tpu.memory_space<semaphore_mem>>
      %dma_start3A_267 = arith.constant 0 : i32
      %dma_start3A_268 = tpu.memref_slice %arg4[%add3A_256, %dma_start3A_267] : memref<163840x16xf32, #tpu.memory_space<hbm>> -> memref<128x16xf32, #tpu.memory_space<hbm>>
      %dma_start3A_269 = arith.constant 0 : i32
      %dma_start3A_270 = arith.constant 0 : i32
      %dma_start3A_271 = tpu.memref_slice %arg6[%dma_start3A_257, %dma_start3A_269, %dma_start3A_270] : memref<4x128x16xf32, #tpu.memory_space<vmem>> -> memref<1x128x16xf32, #tpu.memory_space<vmem>>
      %dma_start3A_272 = tpu.memref_squeeze %dma_start3A_271 : memref<1x128x16xf32, #tpu.memory_space<vmem>> -> memref<128x16xf32, #tpu.memory_space<vmem>>
      tpu.enqueue_dma source(%dma_start3A_272 : memref<128x16xf32, #tpu.memory_space<vmem>>) target(%dma_start3A_268 : memref<128x16xf32, #tpu.memory_space<hbm>>) target_semaphore(%dma_start3A_266 : memref<!tpu.dma_semaphore, #tpu.memory_space<semaphore_mem>>)
    }
    %scan3A_31 = arith.constant 10 : i32
    %dma_wait3A = arith.constant 0 : i32
    %dma_wait3A_32 = arith.constant 0 : i32
    %dma_wait3A_33 = arith.constant 0 : i32
    %dma_wait3A_34 = arith.constant 0 : i32
    %dma_wait3A_35 = tpu.memref_slice %arg6[%dma_wait3A, %dma_wait3A_33, %dma_wait3A_34] : memref<4x128x16xf32, #tpu.memory_space<vmem>> -> memref<1x128x16xf32, #tpu.memory_space<vmem>>
    %dma_wait3A_36 = tpu.memref_squeeze %dma_wait3A_35 : memref<1x128x16xf32, #tpu.memory_space<vmem>> -> memref<128x16xf32, #tpu.memory_space<vmem>>
    %dma_wait3A_37 = arith.constant 0 : i32
    %dma_wait3A_38 = tpu.memref_slice %arg4[%mul3A_2, %dma_wait3A_37] : memref<163840x16xf32, #tpu.memory_space<hbm>> -> memref<128x16xf32, #tpu.memory_space<hbm>>
    %dma_wait3A_39 = tpu.memref_slice %arg8[%dma_wait3A_32] : memref<4x!tpu.dma_semaphore, #tpu.memory_space<semaphore_mem>> -> memref<1x!tpu.dma_semaphore, #tpu.memory_space<semaphore_mem>>
    %dma_wait3A_40 = tpu.memref_squeeze %dma_wait3A_39 : memref<1x!tpu.dma_semaphore, #tpu.memory_space<semaphore_mem>> -> memref<!tpu.dma_semaphore, #tpu.memory_space<semaphore_mem>>
    %dma_wait3A_41 = arith.constant 0 : i32
    %dma_wait3A_42 = tpu.memref_slice %arg4[%mul3A_2, %dma_wait3A_41] : memref<163840x16xf32, #tpu.memory_space<hbm>> -> memref<128x16xf32, #tpu.memory_space<hbm>>
    %dma_wait3A_43 = arith.constant 0 : i32
    %dma_wait3A_44 = arith.constant 0 : i32
    %dma_wait3A_45 = tpu.memref_slice %arg6[%dma_wait3A, %dma_wait3A_43, %dma_wait3A_44] : memref<4x128x16xf32, #tpu.memory_space<vmem>> -> memref<1x128x16xf32, #tpu.memory_space<vmem>>
    %dma_wait3A_46 = tpu.memref_squeeze %dma_wait3A_45 : memref<1x128x16xf32, #tpu.memory_space<vmem>> -> memref<128x16xf32, #tpu.memory_space<vmem>>
    tpu.wait_dma2 semaphore(%dma_wait3A_40 : memref<!tpu.dma_semaphore, #tpu.memory_space<semaphore_mem>>) src(%dma_wait3A_46 : memref<128x16xf32, #tpu.memory_space<vmem>>) dst(%dma_wait3A_42 : memref<128x16xf32, #tpu.memory_space<hbm>>)
    %dma_wait3A_47 = arith.constant 1 : i32
    %dma_wait3A_48 = arith.constant 1 : i32
    %dma_wait3A_49 = arith.constant 0 : i32
    %dma_wait3A_50 = arith.constant 0 : i32
    %dma_wait3A_51 = tpu.memref_slice %arg6[%dma_wait3A_47, %dma_wait3A_49, %dma_wait3A_50] : memref<4x128x16xf32, #tpu.memory_space<vmem>> -> memref<1x128x16xf32, #tpu.memory_space<vmem>>
    %dma_wait3A_52 = tpu.memref_squeeze %dma_wait3A_51 : memref<1x128x16xf32, #tpu.memory_space<vmem>> -> memref<128x16xf32, #tpu.memory_space<vmem>>
    %dma_wait3A_53 = arith.constant 0 : i32
    %dma_wait3A_54 = tpu.memref_slice %arg4[%mul3A_2, %dma_wait3A_53] : memref<163840x16xf32, #tpu.memory_space<hbm>> -> memref<128x16xf32, #tpu.memory_space<hbm>>
    %dma_wait3A_55 = tpu.memref_slice %arg8[%dma_wait3A_48] : memref<4x!tpu.dma_semaphore, #tpu.memory_space<semaphore_mem>> -> memref<1x!tpu.dma_semaphore, #tpu.memory_space<semaphore_mem>>
    %dma_wait3A_56 = tpu.memref_squeeze %dma_wait3A_55 : memref<1x!tpu.dma_semaphore, #tpu.memory_space<semaphore_mem>> -> memref<!tpu.dma_semaphore, #tpu.memory_space<semaphore_mem>>
    %dma_wait3A_57 = arith.constant 0 : i32
    %dma_wait3A_58 = tpu.memref_slice %arg4[%mul3A_2, %dma_wait3A_57] : memref<163840x16xf32, #tpu.memory_space<hbm>> -> memref<128x16xf32, #tpu.memory_space<hbm>>
    %dma_wait3A_59 = arith.constant 0 : i32
    %dma_wait3A_60 = arith.constant 0 : i32
    %dma_wait3A_61 = tpu.memref_slice %arg6[%dma_wait3A_47, %dma_wait3A_59, %dma_wait3A_60] : memref<4x128x16xf32, #tpu.memory_space<vmem>> -> memref<1x128x16xf32, #tpu.memory_space<vmem>>
    %dma_wait3A_62 = tpu.memref_squeeze %dma_wait3A_61 : memref<1x128x16xf32, #tpu.memory_space<vmem>> -> memref<128x16xf32, #tpu.memory_space<vmem>>
    tpu.wait_dma2 semaphore(%dma_wait3A_56 : memref<!tpu.dma_semaphore, #tpu.memory_space<semaphore_mem>>) src(%dma_wait3A_62 : memref<128x16xf32, #tpu.memory_space<vmem>>) dst(%dma_wait3A_58 : memref<128x16xf32, #tpu.memory_space<hbm>>)
    %dma_wait3A_63 = arith.constant 2 : i32
    %dma_wait3A_64 = arith.constant 2 : i32
    %dma_wait3A_65 = arith.constant 0 : i32
    %dma_wait3A_66 = arith.constant 0 : i32
    %dma_wait3A_67 = tpu.memref_slice %arg6[%dma_wait3A_63, %dma_wait3A_65, %dma_wait3A_66] : memref<4x128x16xf32, #tpu.memory_space<vmem>> -> memref<1x128x16xf32, #tpu.memory_space<vmem>>
    %dma_wait3A_68 = tpu.memref_squeeze %dma_wait3A_67 : memref<1x128x16xf32, #tpu.memory_space<vmem>> -> memref<128x16xf32, #tpu.memory_space<vmem>>
    %dma_wait3A_69 = arith.constant 0 : i32
    %dma_wait3A_70 = tpu.memref_slice %arg4[%mul3A_2, %dma_wait3A_69] : memref<163840x16xf32, #tpu.memory_space<hbm>> -> memref<128x16xf32, #tpu.memory_space<hbm>>
    %dma_wait3A_71 = tpu.memref_slice %arg8[%dma_wait3A_64] : memref<4x!tpu.dma_semaphore, #tpu.memory_space<semaphore_mem>> -> memref<1x!tpu.dma_semaphore, #tpu.memory_space<semaphore_mem>>
    %dma_wait3A_72 = tpu.memref_squeeze %dma_wait3A_71 : memref<1x!tpu.dma_semaphore, #tpu.memory_space<semaphore_mem>> -> memref<!tpu.dma_semaphore, #tpu.memory_space<semaphore_mem>>
    %dma_wait3A_73 = arith.constant 0 : i32
    %dma_wait3A_74 = tpu.memref_slice %arg4[%mul3A_2, %dma_wait3A_73] : memref<163840x16xf32, #tpu.memory_space<hbm>> -> memref<128x16xf32, #tpu.memory_space<hbm>>
    %dma_wait3A_75 = arith.constant 0 : i32
    %dma_wait3A_76 = arith.constant 0 : i32
    %dma_wait3A_77 = tpu.memref_slice %arg6[%dma_wait3A_63, %dma_wait3A_75, %dma_wait3A_76] : memref<4x128x16xf32, #tpu.memory_space<vmem>> -> memref<1x128x16xf32, #tpu.memory_space<vmem>>
    %dma_wait3A_78 = tpu.memref_squeeze %dma_wait3A_77 : memref<1x128x16xf32, #tpu.memory_space<vmem>> -> memref<128x16xf32, #tpu.memory_space<vmem>>
    tpu.wait_dma2 semaphore(%dma_wait3A_72 : memref<!tpu.dma_semaphore, #tpu.memory_space<semaphore_mem>>) src(%dma_wait3A_78 : memref<128x16xf32, #tpu.memory_space<vmem>>) dst(%dma_wait3A_74 : memref<128x16xf32, #tpu.memory_space<hbm>>)
    %dma_wait3A_79 = arith.constant 3 : i32
    %dma_wait3A_80 = arith.constant 3 : i32
    %dma_wait3A_81 = arith.constant 0 : i32
    %dma_wait3A_82 = arith.constant 0 : i32
    %dma_wait3A_83 = tpu.memref_slice %arg6[%dma_wait3A_79, %dma_wait3A_81, %dma_wait3A_82] : memref<4x128x16xf32, #tpu.memory_space<vmem>> -> memref<1x128x16xf32, #tpu.memory_space<vmem>>
    %dma_wait3A_84 = tpu.memref_squeeze %dma_wait3A_83 : memref<1x128x16xf32, #tpu.memory_space<vmem>> -> memref<128x16xf32, #tpu.memory_space<vmem>>
    %dma_wait3A_85 = arith.constant 0 : i32
    %dma_wait3A_86 = tpu.memref_slice %arg4[%mul3A_2, %dma_wait3A_85] : memref<163840x16xf32, #tpu.memory_space<hbm>> -> memref<128x16xf32, #tpu.memory_space<hbm>>
    %dma_wait3A_87 = tpu.memref_slice %arg8[%dma_wait3A_80] : memref<4x!tpu.dma_semaphore, #tpu.memory_space<semaphore_mem>> -> memref<1x!tpu.dma_semaphore, #tpu.memory_space<semaphore_mem>>
    %dma_wait3A_88 = tpu.memref_squeeze %dma_wait3A_87 : memref<1x!tpu.dma_semaphore, #tpu.memory_space<semaphore_mem>> -> memref<!tpu.dma_semaphore, #tpu.memory_space<semaphore_mem>>
    %dma_wait3A_89 = arith.constant 0 : i32
    %dma_wait3A_90 = tpu.memref_slice %arg4[%mul3A_2, %dma_wait3A_89] : memref<163840x16xf32, #tpu.memory_space<hbm>> -> memref<128x16xf32, #tpu.memory_space<hbm>>
    %dma_wait3A_91 = arith.constant 0 : i32
    %dma_wait3A_92 = arith.constant 0 : i32
    %dma_wait3A_93 = tpu.memref_slice %arg6[%dma_wait3A_79, %dma_wait3A_91, %dma_wait3A_92] : memref<4x128x16xf32, #tpu.memory_space<vmem>> -> memref<1x128x16xf32, #tpu.memory_space<vmem>>
    %dma_wait3A_94 = tpu.memref_squeeze %dma_wait3A_93 : memref<1x128x16xf32, #tpu.memory_space<vmem>> -> memref<128x16xf32, #tpu.memory_space<vmem>>
    tpu.wait_dma2 semaphore(%dma_wait3A_88 : memref<!tpu.dma_semaphore, #tpu.memory_space<semaphore_mem>>) src(%dma_wait3A_94 : memref<128x16xf32, #tpu.memory_space<vmem>>) dst(%dma_wait3A_90 : memref<128x16xf32, #tpu.memory_space<hbm>>)
    return
  }
}

</mosaic_0001>

<sc_bundles>
// kernel: _sc_gather.3.cloned.1.call-start
scs
__scs_entry_jumppad:
0x0: {  	(pc) =	sbr.rel $0x88, $3  }
0x1: {  	(tag) =	ssettag $0x0;
	lr =	simm.s32 $0x1  }
0x2: {  	[smem:$0x3F9F] =	sst lr;
	_ =	strace $0xD0000000  }
0x3: {  	_ = 	snop  }
0x4: {  	_ = 	snop  }
0x5: {  	_ = 	snop  }
0x6: {  	_ = 	snop  }
0x7: {  	_ = 	snop  }
__scs_overlays_trampoline_lowered:
0x8: {  	[smem:$0x3FAE] =	sst s0  }
0x9: {  	[smem:$0x3FAF] =	sst s1  }
0xa: {  	[smem:$0x3FB0] =	sst s2  }
0xb: {  	[smem:$0x3FB1] =	sst s3  }
0xc: {  	[smem:$0x3FB2] =	sst s4  }
0xd: {  	[smem:$0x3FB3] =	sst s5  }
0xe: {  	[smem:$0x3FB4] =	sst s6  }
0xf: {  	[smem:$0x3FB5] =	sst s7  }
0x10: {  	[smem:$0x3FB6] =	sst s8  }
0x11: {  	[smem:$0x3FB7] =	sst s9;
	s0 =	simm.s32 @!p0 $0x0  }
0x12: {  	s1 =	sld [smem:$0x3F9D];
	s0 =	simm.s32 @p0 $0x1  }
0x13: {  	[smem:$0x3FB8] =	sst s0;
	s0 =	simm.s32 @!p1 $0x0  }
0x14: {  	s2 =	sld [smem:$0x3F9C];
	s0 =	simm.s32 @p1 $0x1  }
0x15: {  	[smem:$0x3FB9] =	sst s0;
	s0 =	simm.s32 @!p2 $0x0  }
0x16: {  	s3 =	sld [smem:$0x3FDB];
	s0 =	simm.s32 @p2 $0x1  }
0x17: {  	s4 =	simm.s32 $0x1BF5;
	[smem:$0x3FBB] =	sst s0  }
0x18: {  	s0 =	sld [smem:$0x3F9E];
	_ =	swait.ge [sflag:s4], $0x0  }
0x19: {  	s7 =	sld [smem:$0x3F9F]  }
0x1a: {  	s8 =	sadd.s32 $0xFFFFE003, lr  }
0x1b: {  	s9 =	sadd.s32 $0xFFFFFEF7, lr;
	s5 =	simm.s32 $0xFFFFFFFF;
	p2 =	slt.u32 s8, $0xFFFFF086  }
0x1c: {  	p1 =	slt.u32 s9, $0xF7A;
	s5 =	simm.s32 @!p2 $0x0  }
0x1d: {  	s5 =	simm.s32 @p1 $0x1;
	p0 =	seq.s32 s7, s2  }
0x1e: {  	s7 =	smul.u32 @!p0 $0xF7A, s2;
	p2 =	seq.s32 @!p0 s5, $0x0  }
0x1f: {  	s9 =	smul.u32 $0xF7A, s1;
	s8 =	simm.s32 @!p0 $0x1BF5;
	p2 =	por !p2, p0  }
0x20: {  	[sflag:s8] =	ssyncset.s32 @!p0 $0xFFFFF086;
	s6 =	sadd.s32 @!p0 s3, s7;
	s7 =	simm.s32 @!p0 $0x108  }
0x21: {  	s3 =	sadd.s32 s3, s9;
	s6 =	sadd.s32 @!p0 $0x88, s6;
	s7 =	simm.s32 @p2 $0x1082  }
0x22: {  	[simem:s7], [sflag:s8] =	dma.local @!p0 [hbm:s6], $0xF7A  }
0x23: {  	s9 =	sor.u32 $0xD0000000, s2;
	s6 =	simm.s32 $0x108;
	_ =	swait.ge @!p0 [sflag:s8], $0x0  }
0x24: {  	s3 =	sadd.s32 $0x88, s3;
	s6 =	simm.s32 @!p1 $0x1082;
	[sflag:s4] =	ssyncset.s32 $0xFFFFF086  }
0x25: {  	[simem:s6], [sflag:s4] =	dma.local [hbm:s3], $0xF7A  }
0x26: {  	[smem:$0x3F9F] =	sst s1;
	(tag) =	ssettag s2;
	_ =	strace s9  }
0x27: {  	s1 =	sld [smem:$0x3FAF]  }
0x28: {  	s2 =	sld [smem:$0x3FB0]  }
0x29: {  	s4 =	sld [smem:$0x3FB2]  }
0x2a: {  	p0 =	seq.s32 s5, $0x0;
	s5 =	sld [smem:$0x3FB3]  }
0x2b: {  	s6 =	sld [smem:$0x3FB4]  }
0x2c: {  	s7 =	sld [smem:$0x3FB5]  }
0x2d: {  	s3 =	simm.s32 $0x108;
	s8 =	sld [smem:$0x3FB6]  }
0x2e: {  	s3 =	simm.s32 @!p0 $0x1082;
	s9 =	sld [smem:$0x3FB7]  }
0x2f: {  	lr =	sadd.s32 s0, s3;
	s0 =	sld [smem:$0x3FAE]  }
0x30: {  	s3 =	sld [smem:$0x3FB1]  }
0x31: {  	[smem:$0x3FBA] =	sst s10  }
0x32: {  	s10 =	sld [smem:$0x3FB8];
	_ =	sdelay $0x3  }
0x33: {  	p0 =	seq.s32 s10, $0x1;
	s10 =	sld [smem:$0x3FBA];
	_ =	sdelay $0x3  }
0x34: {  	[smem:$0x3FBA] =	sst s10  }
0x35: {  	s10 =	sld [smem:$0x3FB9];
	_ =	sdelay $0x3  }
0x36: {  	p1 =	seq.s32 s10, $0x1;
	s10 =	sld [smem:$0x3FBA];
	_ =	sdelay $0x3  }
0x37: {  	[smem:$0x3FBA] =	sst s10  }
0x38: {  	s10 =	sld [smem:$0x3FBB]  }
0x39: {  	_ = 	snop;
	(pc) =	sbr.ind lr, $3  }
0x3a: {  	_ = 	snop  }
0x3b: {  	_ = 	snop  }
0x3c: {  	p2 =	seq.s32 s10, $0x1;
	s10 =	sld [smem:$0x3FBA]  }
0x3d: {  	_ =	shalt  }
0x3e: {  	_ =	shalt  }
0x3f: {  	_ =	shalt  }
0x40: {  	_ =	shalt  }
0x41: {  	_ =	shalt  }
0x42: {  	_ =	shalt  }
0x43: {  	_ =	shalt  }
0x44: {  	_ =	shalt  }
0x45: {  	_ =	shalt  }
0x46: {  	_ =	shalt  }
0x47: {  	_ =	shalt  }
0x48: {  	_ =	shalt  }
0x49: {  	_ =	shalt  }
0x4a: {  	_ =	shalt  }
0x4b: {  	_ =	shalt  }
0x4c: {  	_ =	shalt  }
0x4d: {  	_ =	shalt  }
0x4e: {  	_ =	shalt  }
0x4f: {  	_ =	shalt  }
0x50: {  	_ =	shalt  }
0x51: {  	_ =	shalt  }
0x52: {  	_ =	shalt  }
0x53: {  	_ =	shalt  }
0x54: {  	_ =	shalt  }
0x55: {  	_ =	shalt  }
0x56: {  	_ =	shalt  }
0x57: {  	_ =	shalt  }
0x58: {  	_ =	shalt  }
0x59: {  	_ =	shalt  }
0x5a: {  	_ =	shalt  }
0x5b: {  	_ =	shalt  }
0x5c: {  	_ =	shalt  }
0x5d: {  	_ =	shalt  }
0x5e: {  	_ =	shalt  }
0x5f: {  	_ =	shalt  }
0x60: {  	_ =	shalt  }
0x61: {  	_ =	shalt  }
0x62: {  	_ =	shalt  }
0x63: {  	_ =	shalt  }
0x64: {  	_ =	shalt  }
0x65: {  	_ =	shalt  }
0x66: {  	_ =	shalt  }
0x67: {  	_ =	shalt  }
0x68: {  	_ =	shalt  }
0x69: {  	_ =	shalt  }
0x6a: {  	_ =	shalt  }
0x6b: {  	_ =	shalt  }
0x6c: {  	_ =	shalt  }
0x6d: {  	_ =	shalt  }
0x6e: {  	_ =	shalt  }
0x6f: {  	_ =	shalt  }
0x70: {  	_ =	shalt  }
0x71: {  	_ =	shalt  }
0x72: {  	_ =	shalt  }
0x73: {  	_ =	shalt  }
0x74: {  	_ =	shalt  }
0x75: {  	_ =	shalt  }
0x76: {  	_ =	shalt  }
0x77: {  	_ =	shalt  }
0x78: {  	_ =	shalt  }
0x79: {  	_ =	shalt  }
0x7a: {  	_ =	shalt  }
0x7b: {  	_ =	shalt  }
0x7c: {  	_ =	shalt  }
0x7d: {  	_ =	shalt  }
0x7e: {  	_ =	shalt  }
0x7f: {  	_ =	shalt  }
0x80: {  	_ =	shalt  }
0x81: {  	_ =	shalt  }
0x82: {  	_ =	shalt  }
0x83: {  	_ =	shalt  }
0x84: {  	_ =	shalt  }
0x85: {  	_ =	shalt  }
0x86: {  	_ =	shalt  }
0x87: {  	_ =	shalt  }
.Lfunc_end0:
.L_simem_size_0:
called_computation_lowered:
.L_overlay_start_0:
0x88: {  	s2 =	sld [smem:$0x3FD9]  }
0x89: {  	s3 =	sld [smem:$0x3FFE];
	_ =	sdelay $0x1  }
0x8a: {  	s1 =	srdreg.scid  }
0x8b: {  	s0 =	sand.u32 $0x1, s1  }
0x8c: {  	s17 =	sshll.u32 s0, $0xA;
	s2 =	sadd.s32 s3, s2  }
0x8d: {  	s2 =	sadd.s32 s2, s17  }
0x8e: {  	[smem:$0x3FC6] =	sst s2  }
0x8f: {  	_ = 	snop  }
0x90: {  	s2 =	sld [smem:$0x3FC8]  }
0x91: {  	s18 =	sld [smem:$0x3FD0];
	(tm) =	ssettm $0x1  }
0x92: {  	s4 =	sld [smem:$0x3FFB];
	_ =	sdelay $0x3  }
0x93: {  	_ =	strace s4  }
0x94: {  	s4 =	sld [smem:$0x3FFC];
	_ =	sdelay $0x3  }
0x95: {  	_ =	strace s4  }
0x96: {  	s4 =	sld [smem:$0x3FFD];
	_ =	sdelay $0x3  }
0x97: {  	_ =	strace s4  }
0x98: {  	_ =	strace $0x8FFFFFFF  }
0x99: {  	s19 =	sld [smem:$0x3FDB];
	_ =	sdelay $0x1  }
0x9a: {  	s5 =	simm.s32 $_scs_section_size  }
0x9b: {  	s6 =	simm.s32 $_size__tile_overlayer_lowered;
	s7 =	simm.s32 $_tile_overlayer_lowered  }
0x9c: {  	s22 =	simm.s32 $0x1BFF;
	s21 =	sshll.u32 s7, $0x1;
	s4 =	sadd.s32 s5, s19  }
0x9d: {  	s8 =	simm.s32 $0x0;
	s20 =	sshll.u32 s6, $0x1;
	s6 =	sadd.s32 s21, s4  }
0x9e: {  	[timem:s8], [sflag:s22] =	dma.local [hbm:s6], s20  }
0x9f: {  	_ =	swait.ge [sflag:s22], s20  }
0xa0: {  	s5 =	ssub.s32 $0x0, s20;
	[sflag:s22] =	ssyncset.done $0x0  }
0xa1: {  	[sflag:s22] =	ssyncadd.s32 s5;
	_ =	sdelay $0x1  }
0xa2: {  	s23 =	simm.s32 $0x1B8B  }
0xa3: {  	_ =	swait.ge [sflag:s23], $0x1  }
0xa4: {  	[sflag:s23] =	ssyncset.done $0x0  }
0xa5: {  	s25 =	simm.s32 $0x1B8E;
	s24 =	sld [smem:$0x3FFE];
	[sflag:s23] =	ssyncadd.s32 $0xFFFFFFFF  }
0xa6: {  	s26 =	simm.s32 $execute0_lowered;
	[smem:$0x3FD2] =	sst s25  }
0xa7: {  	s6 =	sshll.u32 s26, $0x1;
	_ =	strace $0x80000046;
	[dreg:$0x1] =	wrdreg $0xFFFFFFFF  }
0xa8: {  	s28 =	simm.s32 $_size_execute0_lowered;
	s4 =	sadd.s32 s4, s6;
	[dreg:$0x0] =	wrdreg $0x0  }
0xa9: {  	s6 =	sshll.u32 s28, $0x1;
	[dreg:$0x2] =	wrdreg s4  }
0xaa: {  	[dreg:$0x3] =	wrdreg s6  }
0xab: {  	[dreg:$0x4] =	wrdreg $0xC0  }
0xac: {  	_ =	task [dreg:s8], $0x5FFFF  }
0xad: {  	[dreg:$0x1] =	wrdreg $0xFFFFFFFF  }
0xae: {  	[dreg:$0x0] =	wrdreg $0x60  }
0xaf: {  	[dreg:$0x2] =	wrdreg s24  }
0xb0: {  	[dreg:$0x3] =	wrdreg s2  }
0xb1: {  	[dreg:$0x4] =	wrdreg s18  }
0xb2: {  	[dreg:$0x5] =	wrdreg $0x9  }
0xb3: {  	_ =	task.clear_ibuf [dreg:s8], $0x6FFFF;
	_ =	strace $0x90000046  }
0xb4: {  	s29 =	simm.s32 $0x9;
	_ =	strace $0x80000048  }
0xb5: {  	_ =	swait.ge [sflag:s29], $0x1  }
0xb6: {  	[sflag:s29] =	ssyncadd.s32 $0xFFFFFFFF  }
0xb7: {  	_ =	strace $0x90000048  }
0xb8: {  	_ =	sfence  }
0xb9: {  	s30 =	sld [smem:$0x0];
	_ =	sdelay $0x2  }
0xba: {  	s31 =	sshll.u32 s1, $0xD;
	s1 =	sshrl.u32 s1, $0x2  }
0xbb: {  	s3 =	sand.u32 $0x4000, s31;
	s1 =	sadd.s32 s1, s30  }
0xbc: {  	s0 =	sor.u32 s3, s0;
	s1 =	sshll.u32 s1, $0x11  }
0xbd: {  	s0 =	sor.u32 s1, s0  }
0xbe: {  	s0 =	sadd.s32 $0x8F2B, s0  }
0xbf: {  	[sflag:s0] =	ssyncadd.remote.s32 $0x1  }
0xc0: {  	_ =	sfence.sel $0xFFFF  }
0xc1: {  	[dreg:$0x0] =	wrdreg $0xFFFFFFFF;
	(pc) =	sbr.abs _section_cstart, $3  }
0xc2: {  	[dreg:$0x1] =	wrdreg $0xFFFFFFFF  }
0xc3: {  	_ =	task.clear_ibuf [dreg:s8], $0x2FFFF;
	_ =	strace $0x9FFFFFFF  }
0xc4: {  	(tm) =	ssettm $0x7FFFFFFF  }
0xc5: {  	_ =	shalt  }
tec
execute0_lowered:
.L_overlay_start_1:
0x0: {  	(tag) =	ssettag $0x1  }
0x1: {  	s3 =	rddreg [dreg:$0x0]  }
0x2: {  	s1 =	srdreg.scid;
	s4 =	rddreg [dreg:$0x1]  }
0x3: {  	s0 =	stileid.u32;
	s8 =	rddreg [dreg:$0x2];
	s12 =	simm.s32 $0x1400  }
0x4: {  	s13 =	simm.s32 $0x1C00;
	s14 =	simm.s32 $0x2400;
	s15 =	simm.s32 $0x1  }
0x5: {  	s16 =	simm.s32 $0x2C00;
	s17 =	simm.s32 $0x2;
	s18 =	simm.s32 $0x3  }
0x6: {  	s19 =	simm.s32 $0x4;
	s22 =	simm.s32 $0x7;
	s6 =	smul.u32 $0x5000, s0  }
0x7: {  	s23 =	simm.s32 $0x8;
	s1 =	sand.u32 $0x1, s1;
	s10 =	smul.u32 $0x28000, s0  }
0x8: {  	s24 =	simm.s32 $0x0;
	s2 =	sshll.u32 s0, $0x1;
	s7 =	smul.u32 $0x2800, s1  }
0x9: {  	s2 =	sor.u32 s1, s2;
	s9 =	ssub.s32 $0x2, s1;
	s1 =	smul.u32 $0x14000, s1  }
0xa: {  	s3 =	sadd.s32 $0x400, s3;
	s5 =	smul.u32 $0x280, s2;
	s2 =	simm.s32 $0x0  }
0xb: {  	s11 =	sshrl.u32 s9, $0x1;
	s6 =	sadd.s32 s6, s8;
	[smem:$0x7FF] =	sst s2  }
0xc: {  	s9 =	ssub.s32 s9, s11;
	s6 =	sadd.s32 s7, s6;
	s1 =	sadd.s32 s1, s10  }
0xd: {  	s11 =	simm.s32 $0x80;
	_ =	strace $0x80000047;
	s26 =	sadd.s32 s4, s5  }
0xe: {  	s28 =	smax.u32 s9, $0x1;
	s6 =	sadd.s32 $0x100, s6;
	s29 =	sor.u32 $0x1800, s1  }
0xf: {  	s30 =	sor.u32 $0x1000, s1;
	s1 =	sshrl.u32 s1, $0x3;
	[dreg:$0x4] =	wrdreg s26  }
0x10: {  	[dreg:$0x5] =	wrdreg s28;
	s31 =	sshrl.u32 s29, $0x3;
	s9 =	sshrl.u32 s30, $0x3  }
0x11: {  	s7 =	sadd.s32 s1, s8;
	s1 =	sadd.s32 s31, s8;
	s9 =	sadd.s32 s9, s8  }
.LBB2_1:
0x12: {  	s0 =	rddreg [dreg:$0x4];
	s25 =	simm.s32 $0x9  }
0x13: {  	[tilespmem:s2], [sflag:$0x9] =	stream.linear.gather [hbm4b:s0+s2], $0x1400, $0x38;
	[tilespmem:$0x3400] =	vst v63  }
0x14: {  	_ =	swait.ge [sflag:s25], $0x1400  }
0x15: {  	[sflag:s25] =	ssyncset.done $0x0  }
0x16: {  	p0 =	por $0x1, $0x1;
	[sflag:s25] =	ssyncadd.s32 $0xFFFFEC00  }
0x17: {  	[tilespmem:s12], [sflag:$0x1] =	stream.indirect.gather [hbm4b:s3+s11], $0x10, s2, s11, $0xb8;
	[tilespmem:$0x3400] =	vst v63  }
0x18: {  	s8 =	simm.s32 @!p0 $0x7  }
0x19: {  	[tilespmem:s13], [sflag:$0x2] =	stream.indirect.gather [hbm4b:s3+s11], $0x10, s11, s11, $0xb8;
	[tilespmem:$0x3400] =	vst v63  }
0x1a: {  	_ =	swait.ge @!p0 [sflag:s8], $0x800  }
0x1b: {  	[sflag:s8] =	ssyncset.done @!p0 $0x0  }
0x1c: {  	s25 =	simm.s32 $0x100;
	[sflag:s8] =	ssyncadd.s32 @!p0 $0xFFFFF800  }
0x1d: {  	[tilespmem:s14], [sflag:$0x3] =	stream.indirect.gather [hbm4b:s3+s11], $0x10, s25, s11, $0xb8;
	[tilespmem:$0x3400] =	vst v63  }
0x1e: {  	_ =	swait.ge [sflag:s15], $0x800  }
0x1f: {  	[sflag:s15] =	ssyncset.done $0x0  }
0x20: {  	s8 =	simm.s32 @!p0 $0x8;
	[sflag:s15] =	ssyncadd.s32 $0xFFFFF800  }
0x21: {  	[hbm4b:s7+s2] =	stream.linear.scatter [tilespmem:s12], [sflag:$0x5], $0x800, $0x38;
	[tilespmem:$0x3400] =	vst v63  }
0x22: {  	_ =	swait.ge @!p0 [sflag:s8], $0x800  }
0x23: {  	[sflag:s8] =	ssyncset.done @!p0 $0x0  }
0x24: {  	s26 =	simm.s32 $0x180;
	[sflag:s8] =	ssyncadd.s32 @!p0 $0xFFFFF800  }
0x25: {  	[tilespmem:s16], [sflag:$0x4] =	stream.indirect.gather [hbm4b:s3+s11], $0x10, s26, s11, $0xb8;
	[tilespmem:$0x3400] =	vst v63  }
0x26: {  	_ =	swait.ge [sflag:s17], $0x800  }
0x27: {  	p0 =	por $0x0, $0x0;
	[sflag:s17] =	ssyncset.done $0x0  }
0x28: {  	s8 =	simm.s32 @!p0 $0x5;
	[sflag:s17] =	ssyncadd.s32 $0xFFFFF800  }
0x29: {  	[hbm4b:s6+s2] =	stream.linear.scatter [tilespmem:s13], [sflag:$0x6], $0x800, $0x38;
	[tilespmem:$0x3400] =	vst v63  }
0x2a: {  	_ =	swait.ge @!p0 [sflag:s8], $0x800  }
0x2b: {  	s25 =	simm.s32 @!p0 $0x200;
	[sflag:s8] =	ssyncset.done @!p0 $0x0  }
0x2c: {  	s26 =	simm.s32 @!p0 $0x80;
	s28 =	simm.s32 @!p0 $0x1400;
	[sflag:s8] =	ssyncadd.s32 @!p0 $0xFFFFF800  }
0x2d: {  	[tilespmem:s28], [sflag:$0x1] =	stream.indirect.gather @!p0 [hbm4b:s3+s26], $0x10, s25, s26, $0xb8;
	[tilespmem:$0x3400] =	vst v63  }
0x2e: {  	_ =	swait.ge [sflag:s18], $0x800  }
0x2f: {  	[sflag:s18] =	ssyncset.done $0x0  }
0x30: {  	s8 =	simm.s32 @!p0 $0x6;
	[sflag:s18] =	ssyncadd.s32 $0xFFFFF800  }
0x31: {  	[hbm4b:s9+s2] =	stream.linear.scatter [tilespmem:s14], [sflag:$0x7], $0x800, $0x38;
	[tilespmem:$0x3400] =	vst v63  }
0x32: {  	s31 =	simm.s32 $0x1000;
	_ =	swait.ge @!p0 [sflag:s8], $0x800  }
0x33: {  	s30 =	sadd.s32 $0x400, s7;
	p1 =	por $0x0, $0x0;
	[sflag:s8] =	ssyncset.done @!p0 $0x0  }
0x34: {  	s29 =	simm.s32 @!p0 $0x1C00;
	s25 =	simm.s32 @!p0 $0x280;
	[sflag:s8] =	ssyncadd.s32 @!p0 $0xFFFFF800  }
0x35: {  	[tilespmem:s29], [sflag:$0x2] =	stream.indirect.gather @!p0 [hbm4b:s3+s26], $0x10, s25, s26, $0xb8;
	[tilespmem:$0x3400] =	vst v63  }
0x36: {  	s28 =	simm.s32 $0x800;
	s8 =	smov.u32 s1;
	s26 =	sadd.s32 $0x400, s9  }
0x37: {  	s25 =	sadd.s32 $0x400, s1;
	s29 =	sadd.s32 $0x400, s6;
	_ =	swait.ge [sflag:s19], $0x800  }
.LBB2_2:
0x38: {  	s0 =	simm.s32 @!p1 $0x7  }
0x39: {  	[sflag:s19] =	ssyncset.done $0x0;
	s4 =	smov.u32 s31;
	s31 =	sadd.s32 $0x800, s31  }
0x3a: {  	p0 =	sne.s32 s31, $0x5000;
	[sflag:s19] =	ssyncadd.s32 $0xFFFFF800  }
0x3b: {  	[hbm4b:s8+s2] =	stream.linear.scatter [tilespmem:s16], [sflag:$0x8], $0x800, $0x38;
	[tilespmem:$0x3400] =	vst v63  }
0x3c: {  	s5 =	sshra.s32 s28, $0x2;
	s8 =	smov.u32 s25;
	_ =	swait.ge @!p1 [sflag:s0], $0x800  }
0x3d: {  	s10 =	sadd.s32 $0x100, s5;
	[sflag:s0] =	ssyncset.done @!p1 $0x0  }
0x3e: {  	[sflag:s0] =	ssyncadd.s32 @!p1 $0xFFFFF800  }
0x3f: {  	[tilespmem:s14], [sflag:$0x3] =	stream.indirect.gather [hbm4b:s3+s11], $0x10, s10, s11, $0xb8;
	[tilespmem:$0x3400] =	vst v63  }
0x40: {  	_ =	swait.ge [sflag:s15], $0x800  }
0x41: {  	s0 =	simm.s32 @!p1 $0x8;
	[sflag:s15] =	ssyncset.done $0x0  }
0x42: {  	[sflag:s15] =	ssyncadd.s32 $0xFFFFF800  }
0x43: {  	[hbm4b:s30+s2] =	stream.linear.scatter [tilespmem:s12], [sflag:$0x5], $0x800, $0x38;
	[tilespmem:$0x3400] =	vst v63  }
0x44: {  	_ =	swait.ge @!p1 [sflag:s0], $0x800  }
0x45: {  	s5 =	sadd.s32 $0x180, s5;
	[sflag:s0] =	ssyncset.done @!p1 $0x0  }
0x46: {  	[sflag:s0] =	ssyncadd.s32 @!p1 $0xFFFFF800  }
0x47: {  	[tilespmem:s16], [sflag:$0x4] =	stream.indirect.gather [hbm4b:s3+s11], $0x10, s5, s11, $0xb8;
	[tilespmem:$0x3400] =	vst v63  }
0x48: {  	_ =	swait.ge [sflag:s17], $0x800  }
0x49: {  	p1 =	seq.s32 s28, $0x4800;
	[sflag:s17] =	ssyncset.done $0x0  }
0x4a: {  	s0 =	simm.s32 @!p1 $0x5;
	s5 =	sshra.s32 @!p1 s28, $0x2;
	[sflag:s17] =	ssyncadd.s32 $0xFFFFF800  }
0x4b: {  	[hbm4b:s29+s2] =	stream.linear.scatter [tilespmem:s13], [sflag:$0x6], $0x800, $0x38;
	[tilespmem:$0x3400] =	vst v63  }
0x4c: {  	s10 =	sadd.s32 @!p1 $0x200, s5;
	s5 =	sadd.s32 @!p1 $0x280, s5;
	_ =	swait.ge @!p1 [sflag:s0], $0x800  }
0x4d: {  	s20 =	simm.s32 @!p1 $0x80;
	s21 =	simm.s32 @!p1 $0x1400;
	[sflag:s0] =	ssyncset.done @!p1 $0x0  }
0x4e: {  	s28 =	smov.u32 s4;
	[sflag:s0] =	ssyncadd.s32 @!p1 $0xFFFFF800  }
0x4f: {  	[tilespmem:s21], [sflag:$0x1] =	stream.indirect.gather @!p1 [hbm4b:s3+s20], $0x10, s10, s20, $0xb8;
	[tilespmem:$0x3400] =	vst v63  }
0x50: {  	_ =	swait.ge [sflag:s18], $0x800  }
0x51: {  	[sflag:s18] =	ssyncset.done $0x0  }
0x52: {  	s0 =	simm.s32 @!p1 $0x6;
	[sflag:s18] =	ssyncadd.s32 $0xFFFFF800  }
0x53: {  	[hbm4b:s26+s2] =	stream.linear.scatter [tilespmem:s14], [sflag:$0x7], $0x800, $0x38;
	[tilespmem:$0x3400] =	vst v63  }
.Ltmp0:
0x54: {  	_ =	swait.ge @!p1 [sflag:s0], $0x800;
	(pc) =	sbr.rel @p0 .LBB2_2-.Ltmp0, $4  }
0x55: {  	s4 =	simm.s32 @!p1 $0x1C00;
	s26 =	sadd.s32 $0x400, s26;
	[sflag:s0] =	ssyncset.done @!p1 $0x0  }
0x56: {  	s25 =	sadd.s32 $0x400, s25;
	s30 =	sadd.s32 $0x400, s30;
	[sflag:s0] =	ssyncadd.s32 @!p1 $0xFFFFF800  }
0x57: {  	[tilespmem:s4], [sflag:$0x2] =	stream.indirect.gather @!p1 [hbm4b:s3+s20], $0x10, s5, s20, $0xb8;
	[tilespmem:$0x3400] =	vst v63  }
0x58: {  	s29 =	sadd.s32 $0x400, s29;
	p1 =	seq.s32 s28, $0x0;
	_ =	swait.ge [sflag:s19], $0x800  }
0x59: {  	[sflag:s19] =	ssyncset.done $0x0  }
0x5a: {  	s0 =	simm.s32 @!p1 $0x7;
	[sflag:s19] =	ssyncadd.s32 $0xFFFFF800  }
0x5b: {  	[hbm4b:s8+s2] =	stream.linear.scatter [tilespmem:s16], [sflag:$0x8], $0x800, $0x38;
	[tilespmem:$0x3400] =	vst v63  }
0x5c: {  	_ =	swait.ge @!p1 [sflag:s0], $0x800  }
0x5d: {  	s4 =	sshra.s32 s28, $0x2;
	[sflag:s0] =	ssyncset.done @!p1 $0x0  }
0x5e: {  	s5 =	sadd.s32 $0x100, s4;
	[sflag:s0] =	ssyncadd.s32 @!p1 $0xFFFFF800  }
0x5f: {  	[tilespmem:s14], [sflag:$0x3] =	stream.indirect.gather [hbm4b:s3+s11], $0x10, s5, s11, $0xb8;
	[tilespmem:$0x3400] =	vst v63  }
0x60: {  	_ =	swait.ge [sflag:s15], $0x800  }
0x61: {  	[sflag:s15] =	ssyncset.done $0x0  }
0x62: {  	s0 =	simm.s32 @!p1 $0x8;
	[sflag:s15] =	ssyncadd.s32 $0xFFFFF800  }
0x63: {  	[hbm4b:s30+s2] =	stream.linear.scatter [tilespmem:s12], [sflag:$0x5], $0x800, $0x38;
	[tilespmem:$0x3400] =	vst v63  }
0x64: {  	_ =	swait.ge @!p1 [sflag:s0], $0x800  }
0x65: {  	[sflag:s0] =	ssyncset.done @!p1 $0x0  }
0x66: {  	s4 =	sadd.s32 $0x180, s4;
	[sflag:s0] =	ssyncadd.s32 @!p1 $0xFFFFF800  }
0x67: {  	[tilespmem:s16], [sflag:$0x4] =	stream.indirect.gather [hbm4b:s3+s11], $0x10, s4, s11, $0xb8;
	[tilespmem:$0x3400] =	vst v63  }
0x68: {  	_ =	swait.ge [sflag:s17], $0x800  }
0x69: {  	p0 =	seq.s32 s28, $0x4800;
	[sflag:s17] =	ssyncset.done $0x0  }
0x6a: {  	s0 =	simm.s32 @!p0 $0x5;
	[sflag:s17] =	ssyncadd.s32 $0xFFFFF800  }
0x6b: {  	[hbm4b:s29+s2] =	stream.linear.scatter [tilespmem:s13], [sflag:$0x6], $0x800, $0x38;
	[tilespmem:$0x3400] =	vst v63  }
0x6c: {  	_ =	swait.ge @!p0 [sflag:s0], $0x800  }
0x6d: {  	s10 =	simm.s32 @!p0 $0x1400;
	s4 =	sshra.s32 @!p0 s28, $0x2;
	[sflag:s0] =	ssyncset.done @!p0 $0x0  }
0x6e: {  	s8 =	simm.s32 @!p0 $0x80;
	s5 =	sadd.s32 @!p0 $0x200, s4;
	[sflag:s0] =	ssyncadd.s32 @!p0 $0xFFFFF800  }
0x6f: {  	[tilespmem:s10], [sflag:$0x1] =	stream.indirect.gather @!p0 [hbm4b:s3+s8], $0x10, s5, s8, $0xb8;
	[tilespmem:$0x3400] =	vst v63  }
0x70: {  	_ =	swait.ge [sflag:s18], $0x800  }
0x71: {  	[sflag:s18] =	ssyncset.done $0x0  }
0x72: {  	s0 =	simm.s32 @!p0 $0x6;
	[sflag:s18] =	ssyncadd.s32 $0xFFFFF800  }
0x73: {  	[hbm4b:s26+s2] =	stream.linear.scatter [tilespmem:s14], [sflag:$0x7], $0x800, $0x38;
	[tilespmem:$0x3400] =	vst v63  }
0x74: {  	_ =	swait.ge @!p0 [sflag:s0], $0x800  }
0x75: {  	[sflag:s0] =	ssyncset.done @!p0 $0x0  }
0x76: {  	s4 =	sadd.s32 @!p0 $0x280, s4;
	s5 =	simm.s32 @!p0 $0x1C00;
	[sflag:s0] =	ssyncadd.s32 @!p0 $0xFFFFF800  }
0x77: {  	[tilespmem:s5], [sflag:$0x2] =	stream.indirect.gather @!p0 [hbm4b:s3+s8], $0x10, s4, s8, $0xb8;
	[tilespmem:$0x3400] =	vst v63  }
0x78: {  	_ =	swait.ge [sflag:s19], $0x800  }
0x79: {  	[sflag:s19] =	ssyncset.done $0x0  }
0x7a: {  	s29 =	simm.s32 $0x5;
	[sflag:s19] =	ssyncadd.s32 $0xFFFFF800  }
0x7b: {  	[hbm4b:s25+s2] =	stream.linear.scatter [tilespmem:s16], [sflag:$0x8], $0x800, $0x38;
	[tilespmem:$0x3400] =	vst v63  }
0x7c: {  	_ =	swait.ge [sflag:s29], $0x800  }
0x7d: {  	[sflag:s29] =	ssyncset.done $0x0  }
0x7e: {  	s30 =	simm.s32 $0x6;
	[sflag:s29] =	ssyncadd.s32 $0xFFFFF800  }
0x7f: {  	_ =	swait.ge [sflag:s30], $0x800  }
0x80: {  	[sflag:s30] =	ssyncset.done $0x0  }
0x81: {  	[sflag:s30] =	ssyncadd.s32 $0xFFFFF800  }
0x82: {  	_ =	swait.ge [sflag:s22], $0x800  }
0x83: {  	[sflag:s22] =	ssyncset.done $0x0  }
0x84: {  	[sflag:s22] =	ssyncadd.s32 $0xFFFFF800  }
0x85: {  	_ =	swait.ge [sflag:s23], $0x800  }
0x86: {  	s24 =	sadd.s32 $0x1, s24;
	s31 =	rddreg [dreg:$0x5]  }
0x87: {  	p0 =	sne.s32 s24, s31  }
.Ltmp1:
0x88: {  	_ = 	snop;
	(pc) =	sbr.rel @p0 .LBB2_1-.Ltmp1, $3  }
0x89: {  	_ =	sdelay $0x1  }
0x8a: {  	[sflag:s23] =	ssyncset.done $0x0  }
0x8b: {  	[sflag:s23] =	ssyncadd.s32 $0xFFFFF800  }
0x8c: {  	_ =	sfence.sel $0x180000  }
0x8d: {  	[bflag:$0x0] =	sbarrier.arrive $0xFFFF  }
0x8e: {  	_ =	strace $0x90000047  }
0x8f: {  	s0 =	stileid.u32;
	[bflag:$0x2] =	sbarrier.arrive $0xFFFF  }
0x90: {  	p0 =	sne.s32 s0, $0x0;
	s0 =	rddreg [dreg:$0x3]  }
0x91: {  	s0 =	sadd.s32 @!p0 $0x100000, s0  }
0x92: {  	[sflag:s0] =	ssyncadd.tile.s32 @!p0 $0x1;
	_ =	shalt  }
.Lfunc_end2:
_tile_overlayer_lowered:
.L_overlay_start_2:
0x93: {  	(tag) =	ssettag $0x2  }
0x94: {  	s0 =	rddreg [dreg:$0x0];
	s2 =	stileid.u32  }
0x95: {  	s1 =	rddreg [dreg:$0x1];
	p0 =	sne.s32 s2, $0x0  }
0x96: {  	s3 =	rddreg [dreg:$0x2];
	[bflag:$0x3] =	sbarrier.arrive $0xFFFF;
	s2 =	simm.s32 @!p0 $0x1C09  }
0x97: {  	[timem:s3], [sflag:s2] =	dma.local @!p0 [hbm:s0], s1  }
0x98: {  	s0 =	simm.s32 @!p0 $0x9  }
0x99: {  	_ =	swait.ge @!p0 [sflag:s0], s1  }
0x9a: {  	s1 =	ssub.s32 @!p0 $0x0, s1;
	[sflag:s0] =	ssyncset.done @!p0 $0x0  }
0x9b: {  	[sflag:s0] =	ssyncadd.s32 @!p0 s1  }
0x9c: {  	[bflag:$0x3] =	sbarrier.arrive $0xFFFF  }
0x9d: {  	_ =	shalt  }

</sc_bundles>
